<compile_context>
chip_gen: v7x
topology: tpu7x:2x2x1
jax: 0.10.2.dev20260603
libtpu: 0.0.44.dev20260713+nightly
codegen_flags: <defaults>
</compile_context>

<pallas_src>
import functools

import jax
import jax.numpy as jnp
from jax import lax
from jax.experimental import pallas as pl
from jax.experimental.pallas import tpu as pltpu
from jax.experimental.pallas import tpu_sc as plsc

_NW = 32
_B = 128
_LANES = 16


def _pad_shape(n):
    npad = -(-(n + 1) // (_LANES * 8)) * _LANES * 8
    npad = -(-npad // 128) * 128
    return npad, npad // _LANES


def _sc_mesh():
    return plsc.VectorSubcoreMesh(core_axis_name="c", subcore_axis_name="s")


def _sc_degree(c3, n):
    nw, ch, b = c3.shape
    npad, per_sub = _pad_shape(n)

    @functools.partial(
        pl.kernel,
        mesh=_sc_mesh(),
        out_type=jax.ShapeDtypeStruct((2, npad), jnp.float32),
        scratch_types=[
            pltpu.VMEM((ch, b), jnp.int32),
            pltpu.VMEM((b,), jnp.float32),
            pltpu.VMEM_SHARED((npad,), jnp.float32),
        ],
    )
    def deg_kernel(c_hbm, deg_hbm, cidx, ones, acc):
        cid = lax.axis_index("c")
        sid = lax.axis_index("s")
        wid = sid * 2 + cid

        def fill(val):
            def step(i, _):
                ones[pl.ds(i * _LANES, _LANES)] = jnp.full(
                    (_LANES,), val, jnp.float32)
                return 0
            lax.fori_loop(0, b // _LANES, step, 0)

        fill(0.0)

        def zero(i, _):
            pltpu.sync_copy(ones, acc.at[pl.ds(sid * per_sub + i * b, b)])
            return 0

        lax.fori_loop(0, per_sub // b, zero, 0)
        rem = per_sub % b
        if rem:
            pltpu.sync_copy(
                ones.at[pl.ds(0, rem)],
                acc.at[pl.ds(sid * per_sub + (per_sub // b) * b, rem)])
        fill(1.0)
        plsc.subcore_barrier()
        pltpu.sync_copy(c_hbm.at[wid], cidx)

        def chunk(j, _):
            pltpu.sync_copy(ones, acc.at[cidx.at[j]], add=True)
            return 0

        lax.fori_loop(0, ch, chunk, 0)
        plsc.subcore_barrier()

        @pl.when(sid == 0)
        def _():
            pltpu.sync_copy(acc, deg_hbm.at[cid])

    return deg_kernel(c3)


def _sc_aggregate(y, r3, c3, ch):
    n, d = y.shape
    b = _B
    npad, per_sub = _pad_shape(n)

    @functools.partial(
        pl.kernel,
        mesh=_sc_mesh(),
        out_type=jax.ShapeDtypeStruct((2, npad, d), jnp.float32),
        scratch_types=[
            pltpu.VMEM((ch, b), jnp.int32),
            pltpu.VMEM((ch, b), jnp.int32),
            pltpu.VMEM((b, d), jnp.float32),
            pltpu.VMEM_SHARED((npad, d), jnp.float32),
        ],
    )
    def agg_kernel(y_hbm, r_hbm, c_hbm, out_hbm, ridx, cidx, rows, acc):
        cid = lax.axis_index("c")
        sid = lax.axis_index("s")
        wid = sid * 2 + cid

        def zrow(i, _):
            for k in range(d // _LANES):
                rows[i, pl.ds(k * _LANES, _LANES)] = jnp.zeros(
                    (_LANES,), jnp.float32)
            return 0

        lax.fori_loop(0, b, zrow, 0)

        def zacc(i, _):
            pltpu.sync_copy(rows, acc.at[pl.ds(sid * per_sub + i * b, b)])
            return 0

        lax.fori_loop(0, per_sub // b, zacc, 0)
        zrem = per_sub % b
        if zrem:
            pltpu.sync_copy(
                rows.at[pl.ds(0, zrem)],
                acc.at[pl.ds(sid * per_sub + (per_sub // b) * b, zrem)])
        pltpu.sync_copy(r_hbm.at[wid], ridx)
        pltpu.sync_copy(c_hbm.at[wid], cidx)
        plsc.subcore_barrier()

        def chunk(q, _):
            pltpu.sync_copy(y_hbm.at[ridx.at[q]], rows)
            pltpu.sync_copy(rows, acc.at[cidx.at[q]], add=True)
            return 0

        lax.fori_loop(0, ch, chunk, 0)
        plsc.subcore_barrier()
        pltpu.sync_copy(acc.at[pl.ds(sid * per_sub, per_sub)],
                        out_hbm.at[cid, pl.ds(sid * per_sub, per_sub)])

    return agg_kernel(y, r3, c3)


def _tc_pre(x, degp3, w0t, fcwt, fcb2, blk=1000):
    n, d = x.shape
    g = n // blk

    def body(x_ref, degp_ref, w0t_ref, fcwt_ref, fcb_ref,
             y0_ref, res_ref, dinv_ref):
        deg = degp_ref[0] + degp_ref[1] + 1.0
        dinv = lax.rsqrt(deg)
        dinv_ref[...] = dinv
        xb = x_ref[...]
        y0_ref[...] = jnp.dot(xb, w0t_ref[...],
                              preferred_element_type=jnp.float32) * dinv
        res_ref[...] = jnp.dot(xb, fcwt_ref[...],
                               preferred_element_type=jnp.float32) + fcb_ref[...]

    return pl.pallas_call(
        body,
        grid=(g,),
        in_specs=[
            pl.BlockSpec((blk, d), lambda i: (i, 0)),
            pl.BlockSpec((2, blk, 1), lambda i: (0, i, 0)),
            pl.BlockSpec((d, d), lambda i: (0, 0)),
            pl.BlockSpec((d, d), lambda i: (0, 0)),
            pl.BlockSpec((1, d), lambda i: (0, 0)),
        ],
        out_specs=[
            pl.BlockSpec((blk, d), lambda i: (i, 0)),
            pl.BlockSpec((blk, d), lambda i: (i, 0)),
            pl.BlockSpec((blk, 1), lambda i: (i, 0)),
        ],
        out_shape=[
            jax.ShapeDtypeStruct((n, d), jnp.float32),
            jax.ShapeDtypeStruct((n, d), jnp.float32),
            jax.ShapeDtypeStruct((n, 1), jnp.float32),
        ],
    )(x, degp3, w0t, fcwt, fcb2)


def _tc_mid(aggp, y0, dinv, b02, w1t, blk=1000):
    n, d = y0.shape

    def body(aggp_ref, y0_ref, dinv_ref, b0_ref, w1t_ref, y1_ref):
        dinv = dinv_ref[...]
        h = (aggp_ref[0] + aggp_ref[1] + y0_ref[...]) * dinv + b0_ref[...]
        h = jnp.maximum(h, 0.0)
        y1_ref[...] = jnp.dot(h, w1t_ref[...],
                              preferred_element_type=jnp.float32) * dinv

    return pl.pallas_call(
        body,
        grid=(n // blk,),
        in_specs=[
            pl.BlockSpec((2, blk, d), lambda i: (0, i, 0)),
            pl.BlockSpec((blk, d), lambda i: (i, 0)),
            pl.BlockSpec((blk, 1), lambda i: (i, 0)),
            pl.BlockSpec((1, d), lambda i: (0, 0)),
            pl.BlockSpec((d, d), lambda i: (0, 0)),
        ],
        out_specs=pl.BlockSpec((blk, d), lambda i: (i, 0)),
        out_shape=jax.ShapeDtypeStruct((n, d), jnp.float32),
    )(aggp, y0, dinv, b02, w1t)


def _tc_post(aggp, y1, dinv, b12, res, blk=1000):
    n, d = y1.shape

    def body(aggp_ref, y1_ref, dinv_ref, b1_ref, res_ref, out_ref):
        h = (aggp_ref[0] + aggp_ref[1] + y1_ref[...]) * dinv_ref[...] \
            + b1_ref[...]
        out_ref[...] = jnp.maximum(h, 0.0) + res_ref[...]

    return pl.pallas_call(
        body,
        grid=(n // blk,),
        in_specs=[
            pl.BlockSpec((2, blk, d), lambda i: (0, i, 0)),
            pl.BlockSpec((blk, d), lambda i: (i, 0)),
            pl.BlockSpec((blk, 1), lambda i: (i, 0)),
            pl.BlockSpec((1, d), lambda i: (0, 0)),
            pl.BlockSpec((blk, d), lambda i: (i, 0)),
        ],
        out_specs=pl.BlockSpec((blk, d), lambda i: (i, 0)),
        out_shape=jax.ShapeDtypeStruct((n, d), jnp.float32),
    )(aggp, y1, dinv, b12, res)


def kernel(x, edge_index, W0, b0, W1, b1, fcW, fcb):
    n, d = x.shape
    e = edge_index.shape[1]
    ch = -(-e // (_NW * _B))
    ep = _NW * ch * _B
    r = edge_index[0].astype(jnp.int32)
    c = edge_index[1].astype(jnp.int32)
    pad = ep - e
    rflat = jnp.concatenate([r, jnp.zeros((pad,), jnp.int32)])
    cflat = jnp.concatenate([c, jnp.full((pad,), n, jnp.int32)])
    r3 = rflat.reshape(_NW, ch, _B)
    c3 = cflat.reshape(_NW, ch, _B)

    degp = _sc_degree(c3, n)
    degp3 = degp[:, :n].reshape(2, n, 1)
    y0, res, dinv = _tc_pre(x, degp3, W0.T, fcW.T, fcb.reshape(1, d))
    agg0 = _sc_aggregate(y0, r3, c3, ch)[:, :n]
    y1 = _tc_mid(agg0, y0, dinv, b0.reshape(1, d), W1.T)
    agg1 = _sc_aggregate(y1, r3, c3, ch)[:, :n]
    return _tc_post(agg1, y1, dinv, b1.reshape(1, d), res)

# --- scband reference (transcript-rebuilt; emitter-appended) ---
"""Pipeline reference for scband-gatmodel-12017318494791 (READ-ONLY COPY).

The authoritative reference and input builder live on the scoring server;
editing this copy changes nothing except your own understanding.
"""

import jax, jax.numpy as jnp
import numpy as np

N = 10000
E = 320000
D = 128


def setup_inputs(seed: int = 0) -> dict:
    key = jax.random.key(seed)
    ks = jax.random.split(key, 8)
    x = jax.random.normal(ks[0], (N, D), dtype=jnp.float32)
    edge_index = jax.random.randint(ks[1], (2, E), 0, N)
    s = 1.0 / np.sqrt(D)
    # GCNConv layer 0 (in=128 -> out=128): weight [out,in], bias [out]
    W0 = jax.random.uniform(ks[2], (D, D), minval=-s, maxval=s, dtype=jnp.float32)
    b0 = jax.random.uniform(ks[3], (D,), minval=-s, maxval=s, dtype=jnp.float32)
    # GCNConv layer 1 (128 -> 128)
    W1 = jax.random.uniform(ks[4], (D, D), minval=-s, maxval=s, dtype=jnp.float32)
    b1 = jax.random.uniform(ks[5], (D,), minval=-s, maxval=s, dtype=jnp.float32)
    # Encoder residual fc: Linear(in_channels, out_channels)
    fcW = jax.random.uniform(ks[6], (D, D), minval=-s, maxval=s, dtype=jnp.float32)
    fcb = jax.random.uniform(ks[7], (D,), minval=-s, maxval=s, dtype=jnp.float32)
    return {"x": x, "edge_index": edge_index, "W0": W0, "b0": b0,
            "W1": W1, "b1": b1, "fcW": fcW, "fcb": fcb}


def _gcn_conv(h, edge_index, W, b):
    # Faithful PyG GCNConv: add self-loops, symmetric normalization,
    # linear transform, scatter-add aggregation to dst, then bias.
    row = edge_index[0]
    col = edge_index[1]
    loop = jnp.arange(N, dtype=row.dtype)
    r = jnp.concatenate([row, loop])
    c = jnp.concatenate([col, loop])
    h = h @ W.T
    deg = jnp.zeros((N,), h.dtype).at[c].add(1.0)
    dinv = jnp.where(deg > 0, jax.lax.rsqrt(deg), 0.0)
    norm = dinv[r] * dinv[c]
    msgs = h[r] * norm[:, None]
    out = jnp.zeros_like(h).at[c].add(msgs)
    return out + b


def reference(x, edge_index, W0, b0, W1, b1, fcW, fcb):
    # GATModel.forward -> Encoder.forward with k=2, activation=relu
    res = x @ fcW.T + fcb
    h = jax.nn.relu(_gcn_conv(x, edge_index, W0, b0))
    h = jax.nn.relu(_gcn_conv(h, edge_index, W1, b1))
    return h + res

if __name__ == "__main__":
    import jax
    _d = setup_inputs()
    print(jax.jit(kernel)(*tuple(_d.values())))

</pallas_src>

<mosaic_0001>
#map = affine_map<(d0, d1) -> (0, 0)>
#map1 = affine_map<(d0, d1) -> (0, 0, 0)>
module attributes {stable_mosaic.version = 14 : i64} {
  func.func @agg_kernel(%arg0: i32, %arg1: i32, %arg2: memref<10000x128xf32, #tpu.memory_space<hbm>>, %arg3: memref<32x79x128xi32, #tpu.memory_space<hbm>>, %arg4: memref<32x79x128xi32, #tpu.memory_space<hbm>>, %arg5: memref<2x10112x128xf32, #tpu.memory_space<hbm>>, %arg6: memref<79x128xi32, #tpu.memory_space<vmem>>, %arg7: memref<79x128xi32, #tpu.memory_space<vmem>>, %arg8: memref<128x128xf32, #tpu.memory_space<vmem>>, %arg9: memref<10112x128xf32, #tpu.memory_space<vmem_shared>>) attributes {dimension_semantics = [#tpu.dimension_semantics<core_parallel>, #tpu.dimension_semantics<subcore_parallel>], iteration_bounds = array<i64: 2, 16>, scalar_prefetch = 0 : i64, scratch_operands = 4 : i64, tpu.core_type = #tpu.core_type<sc_vector_subcore>, window_params = [{transform_indices = #map}, {transform_indices = #map1}, {transform_indices = #map1}, {transform_indices = #map1}]} {
    %mul3A = arith.constant 2 : i32
    %mul3A_0 = arith.muli %arg1, %mul3A : i32
    %add3A = arith.addi %mul3A_0, %arg0 : i32
    %scan3A = arith.constant 0 : i32
    %scan3A_1 = arith.constant 0 : i32
    %scan3A_2 = arith.constant 128 : i32
    %scan3A_3 = arith.addi %scan3A_1, %scan3A_2 : i32
    %scan3A_4 = arith.constant 1 : i32
    %scan3A_5 = scf.for %scan3A_30 = %scan3A_1 to %scan3A_3 step %scan3A_4 iter_args(%scan3A_31 = %scan3A) -> (i32)  : i32 {
      %broadcast_in_dim3A = arith.constant 0.000000e+00 : f32
      %broadcast_in_dim3A_32 = vector.broadcast %broadcast_in_dim3A : f32 to vector<16xf32>
      %swap3A = arith.index_cast %scan3A_30 : i32 to index
      %swap3A_33 = arith.constant 0 : index
      %swap3A_34 = tpu.vector_load %arg8[%swap3A, %swap3A_33] {strides = array<i32>} : memref<128x128xf32, #tpu.memory_space<vmem>>, vector<1x16xf32>,
      %swap3A_35 = vector.shape_cast %swap3A_34 : vector<1x16xf32> to vector<16xf32>
      %swap3A_36 = vector.shape_cast %broadcast_in_dim3A_32 : vector<16xf32> to vector<1x16xf32>
      tpu.vector_store %arg8[%swap3A, %swap3A_33], %swap3A_36 {strides = array<i32>} : memref<128x128xf32, #tpu.memory_space<vmem>>, vector<1x16xf32>,
      %broadcast_in_dim3A_37 = arith.constant 0.000000e+00 : f32
      %broadcast_in_dim3A_38 = vector.broadcast %broadcast_in_dim3A_37 : f32 to vector<16xf32>
      %swap3A_39 = arith.index_cast %scan3A_30 : i32 to index
      %swap3A_40 = arith.constant 16 : index
      %swap3A_41 = tpu.vector_load %arg8[%swap3A_39, %swap3A_40] {strides = array<i32>} : memref<128x128xf32, #tpu.memory_space<vmem>>, vector<1x16xf32>,
      %swap3A_42 = vector.shape_cast %swap3A_41 : vector<1x16xf32> to vector<16xf32>
      %swap3A_43 = vector.shape_cast %broadcast_in_dim3A_38 : vector<16xf32> to vector<1x16xf32>
      tpu.vector_store %arg8[%swap3A_39, %swap3A_40], %swap3A_43 {strides = array<i32>} : memref<128x128xf32, #tpu.memory_space<vmem>>, vector<1x16xf32>,
      %broadcast_in_dim3A_44 = arith.constant 0.000000e+00 : f32
      %broadcast_in_dim3A_45 = vector.broadcast %broadcast_in_dim3A_44 : f32 to vector<16xf32>
      %swap3A_46 = arith.index_cast %scan3A_30 : i32 to index
      %swap3A_47 = arith.constant 32 : index
      %swap3A_48 = tpu.vector_load %arg8[%swap3A_46, %swap3A_47] {strides = array<i32>} : memref<128x128xf32, #tpu.memory_space<vmem>>, vector<1x16xf32>,
      %swap3A_49 = vector.shape_cast %swap3A_48 : vector<1x16xf32> to vector<16xf32>
      %swap3A_50 = vector.shape_cast %broadcast_in_dim3A_45 : vector<16xf32> to vector<1x16xf32>
      tpu.vector_store %arg8[%swap3A_46, %swap3A_47], %swap3A_50 {strides = array<i32>} : memref<128x128xf32, #tpu.memory_space<vmem>>, vector<1x16xf32>,
      %broadcast_in_dim3A_51 = arith.constant 0.000000e+00 : f32
      %broadcast_in_dim3A_52 = vector.broadcast %broadcast_in_dim3A_51 : f32 to vector<16xf32>
      %swap3A_53 = arith.index_cast %scan3A_30 : i32 to index
      %swap3A_54 = arith.constant 48 : index
      %swap3A_55 = tpu.vector_load %arg8[%swap3A_53, %swap3A_54] {strides = array<i32>} : memref<128x128xf32, #tpu.memory_space<vmem>>, vector<1x16xf32>,
      %swap3A_56 = vector.shape_cast %swap3A_55 : vector<1x16xf32> to vector<16xf32>
      %swap3A_57 = vector.shape_cast %broadcast_in_dim3A_52 : vector<16xf32> to vector<1x16xf32>
      tpu.vector_store %arg8[%swap3A_53, %swap3A_54], %swap3A_57 {strides = array<i32>} : memref<128x128xf32, #tpu.memory_space<vmem>>, vector<1x16xf32>,
      %broadcast_in_dim3A_58 = arith.constant 0.000000e+00 : f32
      %broadcast_in_dim3A_59 = vector.broadcast %broadcast_in_dim3A_58 : f32 to vector<16xf32>
      %swap3A_60 = arith.index_cast %scan3A_30 : i32 to index
      %swap3A_61 = arith.constant 64 : index
      %swap3A_62 = tpu.vector_load %arg8[%swap3A_60, %swap3A_61] {strides = array<i32>} : memref<128x128xf32, #tpu.memory_space<vmem>>, vector<1x16xf32>,
      %swap3A_63 = vector.shape_cast %swap3A_62 : vector<1x16xf32> to vector<16xf32>
      %swap3A_64 = vector.shape_cast %broadcast_in_dim3A_59 : vector<16xf32> to vector<1x16xf32>
      tpu.vector_store %arg8[%swap3A_60, %swap3A_61], %swap3A_64 {strides = array<i32>} : memref<128x128xf32, #tpu.memory_space<vmem>>, vector<1x16xf32>,
      %broadcast_in_dim3A_65 = arith.constant 0.000000e+00 : f32
      %broadcast_in_dim3A_66 = vector.broadcast %broadcast_in_dim3A_65 : f32 to vector<16xf32>
      %swap3A_67 = arith.index_cast %scan3A_30 : i32 to index
      %swap3A_68 = arith.constant 80 : index
      %swap3A_69 = tpu.vector_load %arg8[%swap3A_67, %swap3A_68] {strides = array<i32>} : memref<128x128xf32, #tpu.memory_space<vmem>>, vector<1x16xf32>,
      %swap3A_70 = vector.shape_cast %swap3A_69 : vector<1x16xf32> to vector<16xf32>
      %swap3A_71 = vector.shape_cast %broadcast_in_dim3A_66 : vector<16xf32> to vector<1x16xf32>
      tpu.vector_store %arg8[%swap3A_67, %swap3A_68], %swap3A_71 {strides = array<i32>} : memref<128x128xf32, #tpu.memory_space<vmem>>, vector<1x16xf32>,
      %broadcast_in_dim3A_72 = arith.constant 0.000000e+00 : f32
      %broadcast_in_dim3A_73 = vector.broadcast %broadcast_in_dim3A_72 : f32 to vector<16xf32>
      %swap3A_74 = arith.index_cast %scan3A_30 : i32 to index
      %swap3A_75 = arith.constant 96 : index
      %swap3A_76 = tpu.vector_load %arg8[%swap3A_74, %swap3A_75] {strides = array<i32>} : memref<128x128xf32, #tpu.memory_space<vmem>>, vector<1x16xf32>,
      %swap3A_77 = vector.shape_cast %swap3A_76 : vector<1x16xf32> to vector<16xf32>
      %swap3A_78 = vector.shape_cast %broadcast_in_dim3A_73 : vector<16xf32> to vector<1x16xf32>
      tpu.vector_store %arg8[%swap3A_74, %swap3A_75], %swap3A_78 {strides = array<i32>} : memref<128x128xf32, #tpu.memory_space<vmem>>, vector<1x16xf32>,
      %broadcast_in_dim3A_79 = arith.constant 0.000000e+00 : f32
      %broadcast_in_dim3A_80 = vector.broadcast %broadcast_in_dim3A_79 : f32 to vector<16xf32>
      %swap3A_81 = arith.index_cast %scan3A_30 : i32 to index
      %swap3A_82 = arith.constant 112 : index
      %swap3A_83 = tpu.vector_load %arg8[%swap3A_81, %swap3A_82] {strides = array<i32>} : memref<128x128xf32, #tpu.memory_space<vmem>>, vector<1x16xf32>,
      %swap3A_84 = vector.shape_cast %swap3A_83 : vector<1x16xf32> to vector<16xf32>
      %swap3A_85 = vector.shape_cast %broadcast_in_dim3A_80 : vector<16xf32> to vector<1x16xf32>
      tpu.vector_store %arg8[%swap3A_81, %swap3A_82], %swap3A_85 {strides = array<i32>} : memref<128x128xf32, #tpu.memory_space<vmem>>, vector<1x16xf32>,
      %scan3A_86 = arith.constant 0 : i32
      scf.yield %scan3A_86 : i32
    }
    %scan3A_6 = arith.constant 128 : i32
    %scan3A_7 = arith.constant 0 : i32
    %scan3A_8 = arith.constant 0 : i32
    %scan3A_9 = arith.constant 4 : i32
    %scan3A_10 = arith.addi %scan3A_8, %scan3A_9 : i32
    %scan3A_11 = arith.constant 1 : i32
    %scan3A_12 = scf.for %scan3A_30 = %scan3A_8 to %scan3A_10 step %scan3A_11 iter_args(%scan3A_31 = %scan3A_7) -> (i32)  : i32 {
      %mul3A_32 = arith.constant 632 : i32
      %mul3A_33 = arith.muli %arg1, %mul3A_32 : i32
      %mul3A_34 = arith.constant 128 : i32
      %mul3A_35 = arith.muli %scan3A_30, %mul3A_34 : i32
      %add3A_36 = arith.addi %mul3A_33, %mul3A_35 : i32
      "tpu.region"() ({
        %run_scoped3A = tpu.sem_alloc : memref<!tpu.dma_semaphore, #tpu.memory_space<semaphore_mem>>
        %dma_start3A = arith.constant 0 : i32
        %dma_start3A_38 = tpu.memref_slice %arg9[%add3A_36, %dma_start3A] : memref<10112x128xf32, #tpu.memory_space<vmem_shared>> -> memref<128x128xf32, #tpu.memory_space<vmem_shared>>
        %dma_start3A_39 = arith.constant 0 : i32
        %dma_start3A_40 = tpu.memref_slice %arg9[%add3A_36, %dma_start3A_39] : memref<10112x128xf32, #tpu.memory_space<vmem_shared>> -> memref<128x128xf32, #tpu.memory_space<vmem_shared>>
        tpu.enqueue_dma source(%arg8 : memref<128x128xf32, #tpu.memory_space<vmem>>) target(%dma_start3A_40 : memref<128x128xf32, #tpu.memory_space<vmem_shared>>) target_semaphore(%run_scoped3A : memref<!tpu.dma_semaphore, #tpu.memory_space<semaphore_mem>>)
        %dma_wait3A = arith.constant 0 : i32
        %dma_wait3A_41 = tpu.memref_slice %arg9[%add3A_36, %dma_wait3A] : memref<10112x128xf32, #tpu.memory_space<vmem_shared>> -> memref<128x128xf32, #tpu.memory_space<vmem_shared>>
        %dma_wait3A_42 = arith.constant 0 : i32
        %dma_wait3A_43 = tpu.memref_slice %arg9[%add3A_36, %dma_wait3A_42] : memref<10112x128xf32, #tpu.memory_space<vmem_shared>> -> memref<128x128xf32, #tpu.memory_space<vmem_shared>>
        tpu.wait_dma2 semaphore(%run_scoped3A : memref<!tpu.dma_semaphore, #tpu.memory_space<semaphore_mem>>) src(%arg8 : memref<128x128xf32, #tpu.memory_space<vmem>>) dst(%dma_wait3A_43 : memref<128x128xf32, #tpu.memory_space<vmem_shared>>)
        tpu.yield
      }) : () -> ()
      %scan3A_37 = arith.constant 0 : i32
      scf.yield %scan3A_37 : i32
    }
    %scan3A_13 = arith.constant 4 : i32
    %mul3A_14 = arith.constant 632 : i32
    %mul3A_15 = arith.muli %arg1, %mul3A_14 : i32
    %add3A_16 = arith.constant 512 : i32
    %add3A_17 = arith.addi %mul3A_15, %add3A_16 : i32
    "tpu.region"() ({
      %run_scoped3A = tpu.sem_alloc : memref<!tpu.dma_semaphore, #tpu.memory_space<semaphore_mem>>
      %dma_start3A = arith.constant 0 : i32
      %dma_start3A_30 = arith.constant 0 : i32
      %dma_start3A_31 = tpu.memref_slice %arg8[%dma_start3A, %dma_start3A_30] : memref<128x128xf32, #tpu.memory_space<vmem>> -> memref<120x128xf32, #tpu.memory_space<vmem>>
      %dma_start3A_32 = arith.constant 0 : i32
      %dma_start3A_33 = tpu.memref_slice %arg9[%add3A_17, %dma_start3A_32] : memref<10112x128xf32, #tpu.memory_space<vmem_shared>> -> memref<120x128xf32, #tpu.memory_space<vmem_shared>>
      %dma_start3A_34 = arith.constant 0 : i32
      %dma_start3A_35 = tpu.memref_slice %arg9[%add3A_17, %dma_start3A_34] : memref<10112x128xf32, #tpu.memory_space<vmem_shared>> -> memref<120x128xf32, #tpu.memory_space<vmem_shared>>
      %dma_start3A_36 = arith.constant 0 : i32
      %dma_start3A_37 = arith.constant 0 : i32
      %dma_start3A_38 = tpu.memref_slice %arg8[%dma_start3A_36, %dma_start3A_37] : memref<128x128xf32, #tpu.memory_space<vmem>> -> memref<120x128xf32, #tpu.memory_space<vmem>>
      tpu.enqueue_dma source(%dma_start3A_38 : memref<120x128xf32, #tpu.memory_space<vmem>>) target(%dma_start3A_35 : memref<120x128xf32, #tpu.memory_space<vmem_shared>>) target_semaphore(%run_scoped3A : memref<!tpu.dma_semaphore, #tpu.memory_space<semaphore_mem>>)
      %dma_wait3A = arith.constant 0 : i32
      %dma_wait3A_39 = arith.constant 0 : i32
      %dma_wait3A_40 = tpu.memref_slice %arg8[%dma_wait3A, %dma_wait3A_39] : memref<128x128xf32, #tpu.memory_space<vmem>> -> memref<120x128xf32, #tpu.memory_space<vmem>>
      %dma_wait3A_41 = arith.constant 0 : i32
      %dma_wait3A_42 = tpu.memref_slice %arg9[%add3A_17, %dma_wait3A_41] : memref<10112x128xf32, #tpu.memory_space<vmem_shared>> -> memref<120x128xf32, #tpu.memory_space<vmem_shared>>
      %dma_wait3A_43 = arith.constant 0 : i32
      %dma_wait3A_44 = tpu.memref_slice %arg9[%add3A_17, %dma_wait3A_43] : memref<10112x128xf32, #tpu.memory_space<vmem_shared>> -> memref<120x128xf32, #tpu.memory_space<vmem_shared>>
      %dma_wait3A_45 = arith.constant 0 : i32
      %dma_wait3A_46 = arith.constant 0 : i32
      %dma_wait3A_47 = tpu.memref_slice %arg8[%dma_wait3A_45, %dma_wait3A_46] : memref<128x128xf32, #tpu.memory_space<vmem>> -> memref<120x128xf32, #tpu.memory_space<vmem>>
      tpu.wait_dma2 semaphore(%run_scoped3A : memref<!tpu.dma_semaphore, #tpu.memory_space<semaphore_mem>>) src(%dma_wait3A_47 : memref<120x128xf32, #tpu.memory_space<vmem>>) dst(%dma_wait3A_44 : memref<120x128xf32, #tpu.memory_space<vmem_shared>>)
      tpu.yield
    }) : () -> ()
    "tpu.region"() ({
      %run_scoped3A = tpu.sem_alloc : memref<!tpu.dma_semaphore, #tpu.memory_space<semaphore_mem>>
      %dma_start3A = arith.constant 0 : i32
      %dma_start3A_30 = arith.constant 0 : i32
      %dma_start3A_31 = tpu.memref_slice %arg3[%add3A, %dma_start3A, %dma_start3A_30] : memref<32x79x128xi32, #tpu.memory_space<hbm>> -> memref<1x79x128xi32, #tpu.memory_space<hbm>>
      %dma_start3A_32 = tpu.memref_squeeze %dma_start3A_31 : memref<1x79x128xi32, #tpu.memory_space<hbm>> -> memref<79x128xi32, #tpu.memory_space<hbm>>
      %dma_start3A_33 = arith.constant 0 : i32
      %dma_start3A_34 = arith.constant 0 : i32
      %dma_start3A_35 = tpu.memref_slice %arg3[%add3A, %dma_start3A_33, %dma_start3A_34] : memref<32x79x128xi32, #tpu.memory_space<hbm>> -> memref<1x79x128xi32, #tpu.memory_space<hbm>>
      %dma_start3A_36 = tpu.memref_squeeze %dma_start3A_35 : memref<1x79x128xi32, #tpu.memory_space<hbm>> -> memref<79x128xi32, #tpu.memory_space<hbm>>
      tpu.enqueue_dma source(%dma_start3A_36 : memref<79x128xi32, #tpu.memory_space<hbm>>) target(%arg6 : memref<79x128xi32, #tpu.memory_space<vmem>>) target_semaphore(%run_scoped3A : memref<!tpu.dma_semaphore, #tpu.memory_space<semaphore_mem>>)
      %dma_wait3A = arith.constant 0 : i32
      %dma_wait3A_37 = arith.constant 0 : i32
      %dma_wait3A_38 = tpu.memref_slice %arg3[%add3A, %dma_wait3A, %dma_wait3A_37] : memref<32x79x128xi32, #tpu.memory_space<hbm>> -> memref<1x79x128xi32, #tpu.memory_space<hbm>>
      %dma_wait3A_39 = tpu.memref_squeeze %dma_wait3A_38 : memref<1x79x128xi32, #tpu.memory_space<hbm>> -> memref<79x128xi32, #tpu.memory_space<hbm>>
      %dma_wait3A_40 = arith.constant 0 : i32
      %dma_wait3A_41 = arith.constant 0 : i32
      %dma_wait3A_42 = tpu.memref_slice %arg3[%add3A, %dma_wait3A_40, %dma_wait3A_41] : memref<32x79x128xi32, #tpu.memory_space<hbm>> -> memref<1x79x128xi32, #tpu.memory_space<hbm>>
      %dma_wait3A_43 = tpu.memref_squeeze %dma_wait3A_42 : memref<1x79x128xi32, #tpu.memory_space<hbm>> -> memref<79x128xi32, #tpu.memory_space<hbm>>
      tpu.wait_dma2 semaphore(%run_scoped3A : memref<!tpu.dma_semaphore, #tpu.memory_space<semaphore_mem>>) src(%dma_wait3A_43 : memref<79x128xi32, #tpu.memory_space<hbm>>) dst(%arg6 : memref<79x128xi32, #tpu.memory_space<vmem>>)
      tpu.yield
    }) : () -> ()
    "tpu.region"() ({
      %run_scoped3A = tpu.sem_alloc : memref<!tpu.dma_semaphore, #tpu.memory_space<semaphore_mem>>
      %dma_start3A = arith.constant 0 : i32
      %dma_start3A_30 = arith.constant 0 : i32
      %dma_start3A_31 = tpu.memref_slice %arg4[%add3A, %dma_start3A, %dma_start3A_30] : memref<32x79x128xi32, #tpu.memory_space<hbm>> -> memref<1x79x128xi32, #tpu.memory_space<hbm>>
      %dma_start3A_32 = tpu.memref_squeeze %dma_start3A_31 : memref<1x79x128xi32, #tpu.memory_space<hbm>> -> memref<79x128xi32, #tpu.memory_space<hbm>>
      %dma_start3A_33 = arith.constant 0 : i32
      %dma_start3A_34 = arith.constant 0 : i32
      %dma_start3A_35 = tpu.memref_slice %arg4[%add3A, %dma_start3A_33, %dma_start3A_34] : memref<32x79x128xi32, #tpu.memory_space<hbm>> -> memref<1x79x128xi32, #tpu.memory_space<hbm>>
      %dma_start3A_36 = tpu.memref_squeeze %dma_start3A_35 : memref<1x79x128xi32, #tpu.memory_space<hbm>> -> memref<79x128xi32, #tpu.memory_space<hbm>>
      tpu.enqueue_dma source(%dma_start3A_36 : memref<79x128xi32, #tpu.memory_space<hbm>>) target(%arg7 : memref<79x128xi32, #tpu.memory_space<vmem>>) target_semaphore(%run_scoped3A : memref<!tpu.dma_semaphore, #tpu.memory_space<semaphore_mem>>)
      %dma_wait3A = arith.constant 0 : i32
      %dma_wait3A_37 = arith.constant 0 : i32
      %dma_wait3A_38 = tpu.memref_slice %arg4[%add3A, %dma_wait3A, %dma_wait3A_37] : memref<32x79x128xi32, #tpu.memory_space<hbm>> -> memref<1x79x128xi32, #tpu.memory_space<hbm>>
      %dma_wait3A_39 = tpu.memref_squeeze %dma_wait3A_38 : memref<1x79x128xi32, #tpu.memory_space<hbm>> -> memref<79x128xi32, #tpu.memory_space<hbm>>
      %dma_wait3A_40 = arith.constant 0 : i32
      %dma_wait3A_41 = arith.constant 0 : i32
      %dma_wait3A_42 = tpu.memref_slice %arg4[%add3A, %dma_wait3A_40, %dma_wait3A_41] : memref<32x79x128xi32, #tpu.memory_space<hbm>> -> memref<1x79x128xi32, #tpu.memory_space<hbm>>
      %dma_wait3A_43 = tpu.memref_squeeze %dma_wait3A_42 : memref<1x79x128xi32, #tpu.memory_space<hbm>> -> memref<79x128xi32, #tpu.memory_space<hbm>>
      tpu.wait_dma2 semaphore(%run_scoped3A : memref<!tpu.dma_semaphore, #tpu.memory_space<semaphore_mem>>) src(%dma_wait3A_43 : memref<79x128xi32, #tpu.memory_space<hbm>>) dst(%arg7 : memref<79x128xi32, #tpu.memory_space<vmem>>)
      tpu.yield
    }) : () -> ()
    %barrier3A = arith.constant 0 : index
    tpu.barrier barrier_id(%barrier3A)
    %scan3A_18 = arith.constant 0 : i32
    %scan3A_19 = arith.constant 0 : i32
    %scan3A_20 = arith.constant 79 : i32
    %scan3A_21 = arith.addi %scan3A_19, %scan3A_20 : i32
    %scan3A_22 = arith.constant 1 : i32
    %scan3A_23 = scf.for %scan3A_30 = %scan3A_19 to %scan3A_21 step %scan3A_22 iter_args(%scan3A_31 = %scan3A_18) -> (i32)  : i32 {
      "tpu.region"() ({
        %run_scoped3A = tpu.sem_alloc : memref<!tpu.dma_semaphore, #tpu.memory_space<semaphore_mem>>
        %dma_start3A = arith.constant 0 : i32
        %dma_start3A_33 = tpu.memref_slice %arg6[%scan3A_30, %dma_start3A] : memref<79x128xi32, #tpu.memory_space<vmem>> -> memref<1x128xi32, #tpu.memory_space<vmem>>
        %dma_start3A_34 = tpu.memref_squeeze %dma_start3A_33 : memref<1x128xi32, #tpu.memory_space<vmem>> -> memref<128xi32, #tpu.memory_space<vmem>>
        %dma_start3A_35 = arith.constant 0 : i32
        %dma_start3A_36 = arith.constant 0 : i32
        %dma_start3A_37 = tpu.memref_slice %arg2[%dma_start3A_35, %dma_start3A_36] : memref<10000x128xf32, #tpu.memory_space<hbm>> -> memref<10000x128xf32, #tpu.memory_space<hbm>>
        tpu.enqueue_indirect_dma source(%dma_start3A_37 : memref<10000x128xf32, #tpu.memory_space<hbm>>) target(%arg8 : memref<128x128xf32, #tpu.memory_space<vmem>>) offsets(%dma_start3A_34 : memref<128xi32, #tpu.memory_space<vmem>>) semaphore(%run_scoped3A : memref<!tpu.dma_semaphore, #tpu.memory_space<semaphore_mem>>)
        %dma_wait3A = arith.constant 0 : i32
        %dma_wait3A_38 = tpu.memref_slice %arg6[%scan3A_30, %dma_wait3A] : memref<79x128xi32, #tpu.memory_space<vmem>> -> memref<1x128xi32, #tpu.memory_space<vmem>>
        %dma_wait3A_39 = tpu.memref_squeeze %dma_wait3A_38 : memref<1x128xi32, #tpu.memory_space<vmem>> -> memref<128xi32, #tpu.memory_space<vmem>>
        %dma_wait3A_40 = arith.constant 0 : i32
        %dma_wait3A_41 = arith.constant 0 : i32
        %dma_wait3A_42 = tpu.memref_slice %arg2[%dma_wait3A_40, %dma_wait3A_41] : memref<10000x128xf32, #tpu.memory_space<hbm>> -> memref<10000x128xf32, #tpu.memory_space<hbm>>
        tpu.wait_indirect_dma semaphore(%run_scoped3A : memref<!tpu.dma_semaphore, #tpu.memory_space<semaphore_mem>>) src(%dma_wait3A_42 : memref<10000x128xf32, #tpu.memory_space<hbm>>) dst(%arg8 : memref<128x128xf32, #tpu.memory_space<vmem>>)
        tpu.yield
      }) : () -> ()
      "tpu.region"() ({
        %run_scoped3A = tpu.sem_alloc : memref<!tpu.dma_semaphore, #tpu.memory_space<semaphore_mem>>
        %dma_start3A = arith.constant 0 : i32
        %dma_start3A_33 = tpu.memref_slice %arg7[%scan3A_30, %dma_start3A] : memref<79x128xi32, #tpu.memory_space<vmem>> -> memref<1x128xi32, #tpu.memory_space<vmem>>
        %dma_start3A_34 = tpu.memref_squeeze %dma_start3A_33 : memref<1x128xi32, #tpu.memory_space<vmem>> -> memref<128xi32, #tpu.memory_space<vmem>>
        %dma_start3A_35 = arith.constant 0 : i32
        %dma_start3A_36 = arith.constant 0 : i32
        %dma_start3A_37 = tpu.memref_slice %arg9[%dma_start3A_35, %dma_start3A_36] : memref<10112x128xf32, #tpu.memory_space<vmem_shared>> -> memref<10112x128xf32, #tpu.memory_space<vmem_shared>>
        tpu.enqueue_indirect_dma source(%arg8 : memref<128x128xf32, #tpu.memory_space<vmem>>) target(%dma_start3A_37 : memref<10112x128xf32, #tpu.memory_space<vmem_shared>>) offsets(%dma_start3A_34 : memref<128xi32, #tpu.memory_space<vmem>>) semaphore(%run_scoped3A : memref<!tpu.dma_semaphore, #tpu.memory_space<semaphore_mem>>) {add = true}
        %dma_wait3A = arith.constant 0 : i32
        %dma_wait3A_38 = tpu.memref_slice %arg7[%scan3A_30, %dma_wait3A] : memref<79x128xi32, #tpu.memory_space<vmem>> -> memref<1x128xi32, #tpu.memory_space<vmem>>
        %dma_wait3A_39 = tpu.memref_squeeze %dma_wait3A_38 : memref<1x128xi32, #tpu.memory_space<vmem>> -> memref<128xi32, #tpu.memory_space<vmem>>
        %dma_wait3A_40 = arith.constant 0 : i32
        %dma_wait3A_41 = arith.constant 0 : i32
        %dma_wait3A_42 = tpu.memref_slice %arg9[%dma_wait3A_40, %dma_wait3A_41] : memref<10112x128xf32, #tpu.memory_space<vmem_shared>> -> memref<10112x128xf32, #tpu.memory_space<vmem_shared>>
        tpu.wait_indirect_dma semaphore(%run_scoped3A : memref<!tpu.dma_semaphore, #tpu.memory_space<semaphore_mem>>) src(%arg8 : memref<128x128xf32, #tpu.memory_space<vmem>>) dst(%dma_wait3A_42 : memref<10112x128xf32, #tpu.memory_space<vmem_shared>>)
        tpu.yield
      }) : () -> ()
      %scan3A_32 = arith.constant 0 : i32
      scf.yield %scan3A_32 : i32
    }
    %scan3A_24 = arith.constant 79 : i32
    %barrier3A_25 = arith.constant 0 : index
    tpu.barrier barrier_id(%barrier3A_25)
    %mul3A_26 = arith.constant 632 : i32
    %mul3A_27 = arith.muli %arg1, %mul3A_26 : i32
    %mul3A_28 = arith.constant 632 : i32
    %mul3A_29 = arith.muli %arg1, %mul3A_28 : i32
    "tpu.region"() ({
      %run_scoped3A = tpu.sem_alloc : memref<!tpu.dma_semaphore, #tpu.memory_space<semaphore_mem>>
      %dma_start3A = arith.constant 0 : i32
      %dma_start3A_30 = tpu.memref_slice %arg5[%arg0, %mul3A_29, %dma_start3A] : memref<2x10112x128xf32, #tpu.memory_space<hbm>> -> memref<1x632x128xf32, #tpu.memory_space<hbm>>
      %dma_start3A_31 = tpu.memref_squeeze %dma_start3A_30 : memref<1x632x128xf32, #tpu.memory_space<hbm>> -> memref<632x128xf32, #tpu.memory_space<hbm>>
      %dma_start3A_32 = arith.constant 0 : i32
      %dma_start3A_33 = tpu.memref_slice %arg9[%mul3A_27, %dma_start3A_32] : memref<10112x128xf32, #tpu.memory_space<vmem_shared>> -> memref<632x128xf32, #tpu.memory_space<vmem_shared>>
      tpu.enqueue_dma source(%dma_start3A_33 : memref<632x128xf32, #tpu.memory_space<vmem_shared>>) target(%dma_start3A_31 : memref<632x128xf32, #tpu.memory_space<hbm>>) target_semaphore(%run_scoped3A : memref<!tpu.dma_semaphore, #tpu.memory_space<semaphore_mem>>)
      %dma_wait3A = arith.constant 0 : i32
      %dma_wait3A_34 = tpu.memref_slice %arg5[%arg0, %mul3A_29, %dma_wait3A] : memref<2x10112x128xf32, #tpu.memory_space<hbm>> -> memref<1x632x128xf32, #tpu.memory_space<hbm>>
      %dma_wait3A_35 = tpu.memref_squeeze %dma_wait3A_34 : memref<1x632x128xf32, #tpu.memory_space<hbm>> -> memref<632x128xf32, #tpu.memory_space<hbm>>
      %dma_wait3A_36 = arith.constant 0 : i32
      %dma_wait3A_37 = tpu.memref_slice %arg9[%mul3A_27, %dma_wait3A_36] : memref<10112x128xf32, #tpu.memory_space<vmem_shared>> -> memref<632x128xf32, #tpu.memory_space<vmem_shared>>
      tpu.wait_dma2 semaphore(%run_scoped3A : memref<!tpu.dma_semaphore, #tpu.memory_space<semaphore_mem>>) src(%dma_wait3A_37 : memref<632x128xf32, #tpu.memory_space<vmem_shared>>) dst(%dma_wait3A_35 : memref<632x128xf32, #tpu.memory_space<hbm>>)
      tpu.yield
    }) : () -> ()
    return
  }
}

#map = affine_map<(d0, d1) -> (0, 0, 0)>
#map1 = affine_map<(d0, d1) -> (0, 0)>
module attributes {stable_mosaic.version = 14 : i64} {
  func.func @deg_kernel(%arg0: i32, %arg1: i32, %arg2: memref<32x79x128xi32, #tpu.memory_space<hbm>>, %arg3: memref<2x10112xf32, #tpu.memory_space<hbm>>, %arg4: memref<79x128xi32, #tpu.memory_space<vmem>>, %arg5: memref<128xf32, #tpu.memory_space<vmem>>, %arg6: memref<10112xf32, #tpu.memory_space<vmem_shared>>) attributes {dimension_semantics = [#tpu.dimension_semantics<core_parallel>, #tpu.dimension_semantics<subcore_parallel>], iteration_bounds = array<i64: 2, 16>, scalar_prefetch = 0 : i64, scratch_operands = 3 : i64, tpu.core_type = #tpu.core_type<sc_vector_subcore>, window_params = [{transform_indices = #map}, {transform_indices = #map1}]} {
    %mul3A = arith.constant 2 : i32
    %mul3A_0 = arith.muli %arg1, %mul3A : i32
    %add3A = arith.addi %mul3A_0, %arg0 : i32
    %scan3A = arith.constant 0 : i32
    %scan3A_1 = arith.constant 0 : i32
    %scan3A_2 = arith.constant 8 : i32
    %scan3A_3 = arith.addi %scan3A_1, %scan3A_2 : i32
    %scan3A_4 = arith.constant 1 : i32
    %scan3A_5 = scf.for %scan3A_35 = %scan3A_1 to %scan3A_3 step %scan3A_4 iter_args(%scan3A_36 = %scan3A) -> (i32)  : i32 {
      %broadcast_in_dim3A = arith.constant 0.000000e+00 : f32
      %broadcast_in_dim3A_37 = vector.broadcast %broadcast_in_dim3A : f32 to vector<16xf32>
      %mul3A_38 = arith.constant 16 : i32
      %mul3A_39 = arith.muli %scan3A_35, %mul3A_38 : i32
      %swap3A = arith.index_cast %mul3A_39 : i32 to index
      %swap3A_40 = tpu.vector_load %arg5[%swap3A] {strides = array<i32>} : memref<128xf32, #tpu.memory_space<vmem>>, vector<16xf32>,
      %swap3A_41 = vector.shape_cast %swap3A_40 : vector<16xf32> to vector<16xf32>
      %swap3A_42 = vector.shape_cast %broadcast_in_dim3A_37 : vector<16xf32> to vector<16xf32>
      tpu.vector_store %arg5[%swap3A], %swap3A_42 {strides = array<i32>} : memref<128xf32, #tpu.memory_space<vmem>>, vector<16xf32>,
      %scan3A_43 = arith.constant 0 : i32
      scf.yield %scan3A_43 : i32
    }
    %scan3A_6 = arith.constant 8 : i32
    %scan3A_7 = arith.constant 0 : i32
    %scan3A_8 = arith.constant 0 : i32
    %scan3A_9 = arith.constant 4 : i32
    %scan3A_10 = arith.addi %scan3A_8, %scan3A_9 : i32
    %scan3A_11 = arith.constant 1 : i32
    %scan3A_12 = scf.for %scan3A_35 = %scan3A_8 to %scan3A_10 step %scan3A_11 iter_args(%scan3A_36 = %scan3A_7) -> (i32)  : i32 {
      %mul3A_37 = arith.constant 632 : i32
      %mul3A_38 = arith.muli %arg1, %mul3A_37 : i32
      %mul3A_39 = arith.constant 128 : i32
      %mul3A_40 = arith.muli %scan3A_35, %mul3A_39 : i32
      %add3A_41 = arith.addi %mul3A_38, %mul3A_40 : i32
      "tpu.region"() ({
        %run_scoped3A = tpu.sem_alloc : memref<!tpu.dma_semaphore, #tpu.memory_space<semaphore_mem>>
        %dma_start3A = tpu.memref_slice %arg6[%add3A_41] : memref<10112xf32, #tpu.memory_space<vmem_shared>> -> memref<128xf32, #tpu.memory_space<vmem_shared>>
        %dma_start3A_43 = tpu.memref_slice %arg6[%add3A_41] : memref<10112xf32, #tpu.memory_space<vmem_shared>> -> memref<128xf32, #tpu.memory_space<vmem_shared>>
        tpu.enqueue_dma source(%arg5 : memref<128xf32, #tpu.memory_space<vmem>>) target(%dma_start3A_43 : memref<128xf32, #tpu.memory_space<vmem_shared>>) target_semaphore(%run_scoped3A : memref<!tpu.dma_semaphore, #tpu.memory_space<semaphore_mem>>)
        %dma_wait3A = tpu.memref_slice %arg6[%add3A_41] : memref<10112xf32, #tpu.memory_space<vmem_shared>> -> memref<128xf32, #tpu.memory_space<vmem_shared>>
        %dma_wait3A_44 = tpu.memref_slice %arg6[%add3A_41] : memref<10112xf32, #tpu.memory_space<vmem_shared>> -> memref<128xf32, #tpu.memory_space<vmem_shared>>
        tpu.wait_dma2 semaphore(%run_scoped3A : memref<!tpu.dma_semaphore, #tpu.memory_space<semaphore_mem>>) src(%arg5 : memref<128xf32, #tpu.memory_space<vmem>>) dst(%dma_wait3A_44 : memref<128xf32, #tpu.memory_space<vmem_shared>>)
        tpu.yield
      }) : () -> ()
      %scan3A_42 = arith.constant 0 : i32
      scf.yield %scan3A_42 : i32
    }
    %scan3A_13 = arith.constant 4 : i32
    %mul3A_14 = arith.constant 632 : i32
    %mul3A_15 = arith.muli %arg1, %mul3A_14 : i32
    %add3A_16 = arith.constant 512 : i32
    %add3A_17 = arith.addi %mul3A_15, %add3A_16 : i32
    "tpu.region"() ({
      %run_scoped3A = tpu.sem_alloc : memref<!tpu.dma_semaphore, #tpu.memory_space<semaphore_mem>>
      %dma_start3A = arith.constant 0 : i32
      %dma_start3A_35 = tpu.memref_slice %arg5[%dma_start3A] : memref<128xf32, #tpu.memory_space<vmem>> -> memref<120xf32, #tpu.memory_space<vmem>>
      %dma_start3A_36 = tpu.memref_slice %arg6[%add3A_17] : memref<10112xf32, #tpu.memory_space<vmem_shared>> -> memref<120xf32, #tpu.memory_space<vmem_shared>>
      %dma_start3A_37 = tpu.memref_slice %arg6[%add3A_17] : memref<10112xf32, #tpu.memory_space<vmem_shared>> -> memref<120xf32, #tpu.memory_space<vmem_shared>>
      %dma_start3A_38 = arith.constant 0 : i32
      %dma_start3A_39 = tpu.memref_slice %arg5[%dma_start3A_38] : memref<128xf32, #tpu.memory_space<vmem>> -> memref<120xf32, #tpu.memory_space<vmem>>
      tpu.enqueue_dma source(%dma_start3A_39 : memref<120xf32, #tpu.memory_space<vmem>>) target(%dma_start3A_37 : memref<120xf32, #tpu.memory_space<vmem_shared>>) target_semaphore(%run_scoped3A : memref<!tpu.dma_semaphore, #tpu.memory_space<semaphore_mem>>)
      %dma_wait3A = arith.constant 0 : i32
      %dma_wait3A_40 = tpu.memref_slice %arg5[%dma_wait3A] : memref<128xf32, #tpu.memory_space<vmem>> -> memref<120xf32, #tpu.memory_space<vmem>>
      %dma_wait3A_41 = tpu.memref_slice %arg6[%add3A_17] : memref<10112xf32, #tpu.memory_space<vmem_shared>> -> memref<120xf32, #tpu.memory_space<vmem_shared>>
      %dma_wait3A_42 = tpu.memref_slice %arg6[%add3A_17] : memref<10112xf32, #tpu.memory_space<vmem_shared>> -> memref<120xf32, #tpu.memory_space<vmem_shared>>
      %dma_wait3A_43 = arith.constant 0 : i32
      %dma_wait3A_44 = tpu.memref_slice %arg5[%dma_wait3A_43] : memref<128xf32, #tpu.memory_space<vmem>> -> memref<120xf32, #tpu.memory_space<vmem>>
      tpu.wait_dma2 semaphore(%run_scoped3A : memref<!tpu.dma_semaphore, #tpu.memory_space<semaphore_mem>>) src(%dma_wait3A_44 : memref<120xf32, #tpu.memory_space<vmem>>) dst(%dma_wait3A_42 : memref<120xf32, #tpu.memory_space<vmem_shared>>)
      tpu.yield
    }) : () -> ()
    %scan3A_18 = arith.constant 0 : i32
    %scan3A_19 = arith.constant 0 : i32
    %scan3A_20 = arith.constant 8 : i32
    %scan3A_21 = arith.addi %scan3A_19, %scan3A_20 : i32
    %scan3A_22 = arith.constant 1 : i32
    %scan3A_23 = scf.for %scan3A_35 = %scan3A_19 to %scan3A_21 step %scan3A_22 iter_args(%scan3A_36 = %scan3A_18) -> (i32)  : i32 {
      %broadcast_in_dim3A = arith.constant 1.000000e+00 : f32
      %broadcast_in_dim3A_37 = vector.broadcast %broadcast_in_dim3A : f32 to vector<16xf32>
      %mul3A_38 = arith.constant 16 : i32
      %mul3A_39 = arith.muli %scan3A_35, %mul3A_38 : i32
      %swap3A = arith.index_cast %mul3A_39 : i32 to index
      %swap3A_40 = tpu.vector_load %arg5[%swap3A] {strides = array<i32>} : memref<128xf32, #tpu.memory_space<vmem>>, vector<16xf32>,
      %swap3A_41 = vector.shape_cast %swap3A_40 : vector<16xf32> to vector<16xf32>
      %swap3A_42 = vector.shape_cast %broadcast_in_dim3A_37 : vector<16xf32> to vector<16xf32>
      tpu.vector_store %arg5[%swap3A], %swap3A_42 {strides = array<i32>} : memref<128xf32, #tpu.memory_space<vmem>>, vector<16xf32>,
      %scan3A_43 = arith.constant 0 : i32
      scf.yield %scan3A_43 : i32
    }
    %scan3A_24 = arith.constant 8 : i32
    %barrier3A = arith.constant 0 : index
    tpu.barrier barrier_id(%barrier3A)
    "tpu.region"() ({
      %run_scoped3A = tpu.sem_alloc : memref<!tpu.dma_semaphore, #tpu.memory_space<semaphore_mem>>
      %dma_start3A = arith.constant 0 : i32
      %dma_start3A_35 = arith.constant 0 : i32
      %dma_start3A_36 = tpu.memref_slice %arg2[%add3A, %dma_start3A, %dma_start3A_35] : memref<32x79x128xi32, #tpu.memory_space<hbm>> -> memref<1x79x128xi32, #tpu.memory_space<hbm>>
      %dma_start3A_37 = tpu.memref_squeeze %dma_start3A_36 : memref<1x79x128xi32, #tpu.memory_space<hbm>> -> memref<79x128xi32, #tpu.memory_space<hbm>>
      %dma_start3A_38 = arith.constant 0 : i32
      %dma_start3A_39 = arith.constant 0 : i32
      %dma_start3A_40 = tpu.memref_slice %arg2[%add3A, %dma_start3A_38, %dma_start3A_39] : memref<32x79x128xi32, #tpu.memory_space<hbm>> -> memref<1x79x128xi32, #tpu.memory_space<hbm>>
      %dma_start3A_41 = tpu.memref_squeeze %dma_start3A_40 : memref<1x79x128xi32, #tpu.memory_space<hbm>> -> memref<79x128xi32, #tpu.memory_space<hbm>>
      tpu.enqueue_dma source(%dma_start3A_41 : memref<79x128xi32, #tpu.memory_space<hbm>>) target(%arg4 : memref<79x128xi32, #tpu.memory_space<vmem>>) target_semaphore(%run_scoped3A : memref<!tpu.dma_semaphore, #tpu.memory_space<semaphore_mem>>)
      %dma_wait3A = arith.constant 0 : i32
      %dma_wait3A_42 = arith.constant 0 : i32
      %dma_wait3A_43 = tpu.memref_slice %arg2[%add3A, %dma_wait3A, %dma_wait3A_42] : memref<32x79x128xi32, #tpu.memory_space<hbm>> -> memref<1x79x128xi32, #tpu.memory_space<hbm>>
      %dma_wait3A_44 = tpu.memref_squeeze %dma_wait3A_43 : memref<1x79x128xi32, #tpu.memory_space<hbm>> -> memref<79x128xi32, #tpu.memory_space<hbm>>
      %dma_wait3A_45 = arith.constant 0 : i32
      %dma_wait3A_46 = arith.constant 0 : i32
      %dma_wait3A_47 = tpu.memref_slice %arg2[%add3A, %dma_wait3A_45, %dma_wait3A_46] : memref<32x79x128xi32, #tpu.memory_space<hbm>> -> memref<1x79x128xi32, #tpu.memory_space<hbm>>
      %dma_wait3A_48 = tpu.memref_squeeze %dma_wait3A_47 : memref<1x79x128xi32, #tpu.memory_space<hbm>> -> memref<79x128xi32, #tpu.memory_space<hbm>>
      tpu.wait_dma2 semaphore(%run_scoped3A : memref<!tpu.dma_semaphore, #tpu.memory_space<semaphore_mem>>) src(%dma_wait3A_48 : memref<79x128xi32, #tpu.memory_space<hbm>>) dst(%arg4 : memref<79x128xi32, #tpu.memory_space<vmem>>)
      tpu.yield
    }) : () -> ()
    %scan3A_25 = arith.constant 0 : i32
    %scan3A_26 = arith.constant 0 : i32
    %scan3A_27 = arith.constant 79 : i32
    %scan3A_28 = arith.addi %scan3A_26, %scan3A_27 : i32
    %scan3A_29 = arith.constant 1 : i32
    %scan3A_30 = scf.for %scan3A_35 = %scan3A_26 to %scan3A_28 step %scan3A_29 iter_args(%scan3A_36 = %scan3A_25) -> (i32)  : i32 {
      "tpu.region"() ({
        %run_scoped3A = tpu.sem_alloc : memref<!tpu.dma_semaphore, #tpu.memory_space<semaphore_mem>>
        %dma_start3A = arith.constant 0 : i32
        %dma_start3A_38 = tpu.memref_slice %arg4[%scan3A_35, %dma_start3A] : memref<79x128xi32, #tpu.memory_space<vmem>> -> memref<1x128xi32, #tpu.memory_space<vmem>>
        %dma_start3A_39 = tpu.memref_squeeze %dma_start3A_38 : memref<1x128xi32, #tpu.memory_space<vmem>> -> memref<128xi32, #tpu.memory_space<vmem>>
        %dma_start3A_40 = arith.constant 0 : i32
        %dma_start3A_41 = tpu.memref_slice %arg6[%dma_start3A_40] : memref<10112xf32, #tpu.memory_space<vmem_shared>> -> memref<10112xf32, #tpu.memory_space<vmem_shared>>
        tpu.enqueue_indirect_dma source(%arg5 : memref<128xf32, #tpu.memory_space<vmem>>) target(%dma_start3A_41 : memref<10112xf32, #tpu.memory_space<vmem_shared>>) offsets(%dma_start3A_39 : memref<128xi32, #tpu.memory_space<vmem>>) semaphore(%run_scoped3A : memref<!tpu.dma_semaphore, #tpu.memory_space<semaphore_mem>>) {add = true}
        %dma_wait3A = arith.constant 0 : i32
        %dma_wait3A_42 = tpu.memref_slice %arg4[%scan3A_35, %dma_wait3A] : memref<79x128xi32, #tpu.memory_space<vmem>> -> memref<1x128xi32, #tpu.memory_space<vmem>>
        %dma_wait3A_43 = tpu.memref_squeeze %dma_wait3A_42 : memref<1x128xi32, #tpu.memory_space<vmem>> -> memref<128xi32, #tpu.memory_space<vmem>>
        %dma_wait3A_44 = arith.constant 0 : i32
        %dma_wait3A_45 = tpu.memref_slice %arg6[%dma_wait3A_44] : memref<10112xf32, #tpu.memory_space<vmem_shared>> -> memref<10112xf32, #tpu.memory_space<vmem_shared>>
        tpu.wait_indirect_dma semaphore(%run_scoped3A : memref<!tpu.dma_semaphore, #tpu.memory_space<semaphore_mem>>) src(%arg5 : memref<128xf32, #tpu.memory_space<vmem>>) dst(%dma_wait3A_45 : memref<10112xf32, #tpu.memory_space<vmem_shared>>)
        tpu.yield
      }) : () -> ()
      %scan3A_37 = arith.constant 0 : i32
      scf.yield %scan3A_37 : i32
    }
    %scan3A_31 = arith.constant 79 : i32
    %barrier3A_32 = arith.constant 0 : index
    tpu.barrier barrier_id(%barrier3A_32)
    %eq3A = arith.constant 0 : i32
    %eq3A_33 = arith.cmpi eq, %arg1, %eq3A : i32
    %convert_element_type3A = arith.extui %eq3A_33 : i1 to i32
    %cond3A = arith.constant 0 : i32
    %cond3A_34 = arith.cmpi ne, %convert_element_type3A, %cond3A : i32
    scf.if %cond3A_34 {
      "tpu.region"() ({
        %run_scoped3A = tpu.sem_alloc : memref<!tpu.dma_semaphore, #tpu.memory_space<semaphore_mem>>
        %dma_start3A = arith.constant 0 : i32
        %dma_start3A_35 = tpu.memref_slice %arg3[%arg0, %dma_start3A] : memref<2x10112xf32, #tpu.memory_space<hbm>> -> memref<1x10112xf32, #tpu.memory_space<hbm>>
        %dma_start3A_36 = tpu.memref_squeeze %dma_start3A_35 : memref<1x10112xf32, #tpu.memory_space<hbm>> -> memref<10112xf32, #tpu.memory_space<hbm>>
        tpu.enqueue_dma source(%arg6 : memref<10112xf32, #tpu.memory_space<vmem_shared>>) target(%dma_start3A_36 : memref<10112xf32, #tpu.memory_space<hbm>>) target_semaphore(%run_scoped3A : memref<!tpu.dma_semaphore, #tpu.memory_space<semaphore_mem>>)
        %dma_wait3A = arith.constant 0 : i32
        %dma_wait3A_37 = tpu.memref_slice %arg3[%arg0, %dma_wait3A] : memref<2x10112xf32, #tpu.memory_space<hbm>> -> memref<1x10112xf32, #tpu.memory_space<hbm>>
        %dma_wait3A_38 = tpu.memref_squeeze %dma_wait3A_37 : memref<1x10112xf32, #tpu.memory_space<hbm>> -> memref<10112xf32, #tpu.memory_space<hbm>>
        tpu.wait_dma2 semaphore(%run_scoped3A : memref<!tpu.dma_semaphore, #tpu.memory_space<semaphore_mem>>) src(%arg6 : memref<10112xf32, #tpu.memory_space<vmem_shared>>) dst(%dma_wait3A_38 : memref<10112xf32, #tpu.memory_space<hbm>>)
        tpu.yield
      }) : () -> ()
    } else {
    }
    return
  }
}

#map = affine_map<(d0, d1) -> (0, 0)>
#map1 = affine_map<(d0, d1) -> (0, 0, 0)>
module attributes {stable_mosaic.version = 14 : i64} {
  func.func @agg_kernel(%arg0: i32, %arg1: i32, %arg2: memref<10000x128xf32, #tpu.memory_space<hbm>>, %arg3: memref<32x79x128xi32, #tpu.memory_space<hbm>>, %arg4: memref<32x79x128xi32, #tpu.memory_space<hbm>>, %arg5: memref<2x10112x128xf32, #tpu.memory_space<hbm>>, %arg6: memref<79x128xi32, #tpu.memory_space<vmem>>, %arg7: memref<79x128xi32, #tpu.memory_space<vmem>>, %arg8: memref<128x128xf32, #tpu.memory_space<vmem>>, %arg9: memref<10112x128xf32, #tpu.memory_space<vmem_shared>>) attributes {dimension_semantics = [#tpu.dimension_semantics<core_parallel>, #tpu.dimension_semantics<subcore_parallel>], iteration_bounds = array<i64: 2, 16>, scalar_prefetch = 0 : i64, scratch_operands = 4 : i64, tpu.core_type = #tpu.core_type<sc_vector_subcore>, window_params = [{transform_indices = #map}, {transform_indices = #map1}, {transform_indices = #map1}, {transform_indices = #map1}]} {
    %mul3A = arith.constant 2 : i32
    %mul3A_0 = arith.muli %arg1, %mul3A : i32
    %add3A = arith.addi %mul3A_0, %arg0 : i32
    %scan3A = arith.constant 0 : i32
    %scan3A_1 = arith.constant 0 : i32
    %scan3A_2 = arith.constant 128 : i32
    %scan3A_3 = arith.addi %scan3A_1, %scan3A_2 : i32
    %scan3A_4 = arith.constant 1 : i32
    %scan3A_5 = scf.for %scan3A_30 = %scan3A_1 to %scan3A_3 step %scan3A_4 iter_args(%scan3A_31 = %scan3A) -> (i32)  : i32 {
      %broadcast_in_dim3A = arith.constant 0.000000e+00 : f32
      %broadcast_in_dim3A_32 = vector.broadcast %broadcast_in_dim3A : f32 to vector<16xf32>
      %swap3A = arith.index_cast %scan3A_30 : i32 to index
      %swap3A_33 = arith.constant 0 : index
      %swap3A_34 = tpu.vector_load %arg8[%swap3A, %swap3A_33] {strides = array<i32>} : memref<128x128xf32, #tpu.memory_space<vmem>>, vector<1x16xf32>,
      %swap3A_35 = vector.shape_cast %swap3A_34 : vector<1x16xf32> to vector<16xf32>
      %swap3A_36 = vector.shape_cast %broadcast_in_dim3A_32 : vector<16xf32> to vector<1x16xf32>
      tpu.vector_store %arg8[%swap3A, %swap3A_33], %swap3A_36 {strides = array<i32>} : memref<128x128xf32, #tpu.memory_space<vmem>>, vector<1x16xf32>,
      %broadcast_in_dim3A_37 = arith.constant 0.000000e+00 : f32
      %broadcast_in_dim3A_38 = vector.broadcast %broadcast_in_dim3A_37 : f32 to vector<16xf32>
      %swap3A_39 = arith.index_cast %scan3A_30 : i32 to index
      %swap3A_40 = arith.constant 16 : index
      %swap3A_41 = tpu.vector_load %arg8[%swap3A_39, %swap3A_40] {strides = array<i32>} : memref<128x128xf32, #tpu.memory_space<vmem>>, vector<1x16xf32>,
      %swap3A_42 = vector.shape_cast %swap3A_41 : vector<1x16xf32> to vector<16xf32>
      %swap3A_43 = vector.shape_cast %broadcast_in_dim3A_38 : vector<16xf32> to vector<1x16xf32>
      tpu.vector_store %arg8[%swap3A_39, %swap3A_40], %swap3A_43 {strides = array<i32>} : memref<128x128xf32, #tpu.memory_space<vmem>>, vector<1x16xf32>,
      %broadcast_in_dim3A_44 = arith.constant 0.000000e+00 : f32
      %broadcast_in_dim3A_45 = vector.broadcast %broadcast_in_dim3A_44 : f32 to vector<16xf32>
      %swap3A_46 = arith.index_cast %scan3A_30 : i32 to index
      %swap3A_47 = arith.constant 32 : index
      %swap3A_48 = tpu.vector_load %arg8[%swap3A_46, %swap3A_47] {strides = array<i32>} : memref<128x128xf32, #tpu.memory_space<vmem>>, vector<1x16xf32>,
      %swap3A_49 = vector.shape_cast %swap3A_48 : vector<1x16xf32> to vector<16xf32>
      %swap3A_50 = vector.shape_cast %broadcast_in_dim3A_45 : vector<16xf32> to vector<1x16xf32>
      tpu.vector_store %arg8[%swap3A_46, %swap3A_47], %swap3A_50 {strides = array<i32>} : memref<128x128xf32, #tpu.memory_space<vmem>>, vector<1x16xf32>,
      %broadcast_in_dim3A_51 = arith.constant 0.000000e+00 : f32
      %broadcast_in_dim3A_52 = vector.broadcast %broadcast_in_dim3A_51 : f32 to vector<16xf32>
      %swap3A_53 = arith.index_cast %scan3A_30 : i32 to index
      %swap3A_54 = arith.constant 48 : index
      %swap3A_55 = tpu.vector_load %arg8[%swap3A_53, %swap3A_54] {strides = array<i32>} : memref<128x128xf32, #tpu.memory_space<vmem>>, vector<1x16xf32>,
      %swap3A_56 = vector.shape_cast %swap3A_55 : vector<1x16xf32> to vector<16xf32>
      %swap3A_57 = vector.shape_cast %broadcast_in_dim3A_52 : vector<16xf32> to vector<1x16xf32>
      tpu.vector_store %arg8[%swap3A_53, %swap3A_54], %swap3A_57 {strides = array<i32>} : memref<128x128xf32, #tpu.memory_space<vmem>>, vector<1x16xf32>,
      %broadcast_in_dim3A_58 = arith.constant 0.000000e+00 : f32
      %broadcast_in_dim3A_59 = vector.broadcast %broadcast_in_dim3A_58 : f32 to vector<16xf32>
      %swap3A_60 = arith.index_cast %scan3A_30 : i32 to index
      %swap3A_61 = arith.constant 64 : index
      %swap3A_62 = tpu.vector_load %arg8[%swap3A_60, %swap3A_61] {strides = array<i32>} : memref<128x128xf32, #tpu.memory_space<vmem>>, vector<1x16xf32>,
      %swap3A_63 = vector.shape_cast %swap3A_62 : vector<1x16xf32> to vector<16xf32>
      %swap3A_64 = vector.shape_cast %broadcast_in_dim3A_59 : vector<16xf32> to vector<1x16xf32>
      tpu.vector_store %arg8[%swap3A_60, %swap3A_61], %swap3A_64 {strides = array<i32>} : memref<128x128xf32, #tpu.memory_space<vmem>>, vector<1x16xf32>,
      %broadcast_in_dim3A_65 = arith.constant 0.000000e+00 : f32
      %broadcast_in_dim3A_66 = vector.broadcast %broadcast_in_dim3A_65 : f32 to vector<16xf32>
      %swap3A_67 = arith.index_cast %scan3A_30 : i32 to index
      %swap3A_68 = arith.constant 80 : index
      %swap3A_69 = tpu.vector_load %arg8[%swap3A_67, %swap3A_68] {strides = array<i32>} : memref<128x128xf32, #tpu.memory_space<vmem>>, vector<1x16xf32>,
      %swap3A_70 = vector.shape_cast %swap3A_69 : vector<1x16xf32> to vector<16xf32>
      %swap3A_71 = vector.shape_cast %broadcast_in_dim3A_66 : vector<16xf32> to vector<1x16xf32>
      tpu.vector_store %arg8[%swap3A_67, %swap3A_68], %swap3A_71 {strides = array<i32>} : memref<128x128xf32, #tpu.memory_space<vmem>>, vector<1x16xf32>,
      %broadcast_in_dim3A_72 = arith.constant 0.000000e+00 : f32
      %broadcast_in_dim3A_73 = vector.broadcast %broadcast_in_dim3A_72 : f32 to vector<16xf32>
      %swap3A_74 = arith.index_cast %scan3A_30 : i32 to index
      %swap3A_75 = arith.constant 96 : index
      %swap3A_76 = tpu.vector_load %arg8[%swap3A_74, %swap3A_75] {strides = array<i32>} : memref<128x128xf32, #tpu.memory_space<vmem>>, vector<1x16xf32>,
      %swap3A_77 = vector.shape_cast %swap3A_76 : vector<1x16xf32> to vector<16xf32>
      %swap3A_78 = vector.shape_cast %broadcast_in_dim3A_73 : vector<16xf32> to vector<1x16xf32>
      tpu.vector_store %arg8[%swap3A_74, %swap3A_75], %swap3A_78 {strides = array<i32>} : memref<128x128xf32, #tpu.memory_space<vmem>>, vector<1x16xf32>,
      %broadcast_in_dim3A_79 = arith.constant 0.000000e+00 : f32
      %broadcast_in_dim3A_80 = vector.broadcast %broadcast_in_dim3A_79 : f32 to vector<16xf32>
      %swap3A_81 = arith.index_cast %scan3A_30 : i32 to index
      %swap3A_82 = arith.constant 112 : index
      %swap3A_83 = tpu.vector_load %arg8[%swap3A_81, %swap3A_82] {strides = array<i32>} : memref<128x128xf32, #tpu.memory_space<vmem>>, vector<1x16xf32>,
      %swap3A_84 = vector.shape_cast %swap3A_83 : vector<1x16xf32> to vector<16xf32>
      %swap3A_85 = vector.shape_cast %broadcast_in_dim3A_80 : vector<16xf32> to vector<1x16xf32>
      tpu.vector_store %arg8[%swap3A_81, %swap3A_82], %swap3A_85 {strides = array<i32>} : memref<128x128xf32, #tpu.memory_space<vmem>>, vector<1x16xf32>,
      %scan3A_86 = arith.constant 0 : i32
      scf.yield %scan3A_86 : i32
    }
    %scan3A_6 = arith.constant 128 : i32
    %scan3A_7 = arith.constant 0 : i32
    %scan3A_8 = arith.constant 0 : i32
    %scan3A_9 = arith.constant 4 : i32
    %scan3A_10 = arith.addi %scan3A_8, %scan3A_9 : i32
    %scan3A_11 = arith.constant 1 : i32
    %scan3A_12 = scf.for %scan3A_30 = %scan3A_8 to %scan3A_10 step %scan3A_11 iter_args(%scan3A_31 = %scan3A_7) -> (i32)  : i32 {
      %mul3A_32 = arith.constant 632 : i32
      %mul3A_33 = arith.muli %arg1, %mul3A_32 : i32
      %mul3A_34 = arith.constant 128 : i32
      %mul3A_35 = arith.muli %scan3A_30, %mul3A_34 : i32
      %add3A_36 = arith.addi %mul3A_33, %mul3A_35 : i32
      "tpu.region"() ({
        %run_scoped3A = tpu.sem_alloc : memref<!tpu.dma_semaphore, #tpu.memory_space<semaphore_mem>>
        %dma_start3A = arith.constant 0 : i32
        %dma_start3A_38 = tpu.memref_slice %arg9[%add3A_36, %dma_start3A] : memref<10112x128xf32, #tpu.memory_space<vmem_shared>> -> memref<128x128xf32, #tpu.memory_space<vmem_shared>>
        %dma_start3A_39 = arith.constant 0 : i32
        %dma_start3A_40 = tpu.memref_slice %arg9[%add3A_36, %dma_start3A_39] : memref<10112x128xf32, #tpu.memory_space<vmem_shared>> -> memref<128x128xf32, #tpu.memory_space<vmem_shared>>
        tpu.enqueue_dma source(%arg8 : memref<128x128xf32, #tpu.memory_space<vmem>>) target(%dma_start3A_40 : memref<128x128xf32, #tpu.memory_space<vmem_shared>>) target_semaphore(%run_scoped3A : memref<!tpu.dma_semaphore, #tpu.memory_space<semaphore_mem>>)
        %dma_wait3A = arith.constant 0 : i32
        %dma_wait3A_41 = tpu.memref_slice %arg9[%add3A_36, %dma_wait3A] : memref<10112x128xf32, #tpu.memory_space<vmem_shared>> -> memref<128x128xf32, #tpu.memory_space<vmem_shared>>
        %dma_wait3A_42 = arith.constant 0 : i32
        %dma_wait3A_43 = tpu.memref_slice %arg9[%add3A_36, %dma_wait3A_42] : memref<10112x128xf32, #tpu.memory_space<vmem_shared>> -> memref<128x128xf32, #tpu.memory_space<vmem_shared>>
        tpu.wait_dma2 semaphore(%run_scoped3A : memref<!tpu.dma_semaphore, #tpu.memory_space<semaphore_mem>>) src(%arg8 : memref<128x128xf32, #tpu.memory_space<vmem>>) dst(%dma_wait3A_43 : memref<128x128xf32, #tpu.memory_space<vmem_shared>>)
        tpu.yield
      }) : () -> ()
      %scan3A_37 = arith.constant 0 : i32
      scf.yield %scan3A_37 : i32
    }
    %scan3A_13 = arith.constant 4 : i32
    %mul3A_14 = arith.constant 632 : i32
    %mul3A_15 = arith.muli %arg1, %mul3A_14 : i32
    %add3A_16 = arith.constant 512 : i32
    %add3A_17 = arith.addi %mul3A_15, %add3A_16 : i32
    "tpu.region"() ({
      %run_scoped3A = tpu.sem_alloc : memref<!tpu.dma_semaphore, #tpu.memory_space<semaphore_mem>>
      %dma_start3A = arith.constant 0 : i32
      %dma_start3A_30 = arith.constant 0 : i32
      %dma_start3A_31 = tpu.memref_slice %arg8[%dma_start3A, %dma_start3A_30] : memref<128x128xf32, #tpu.memory_space<vmem>> -> memref<120x128xf32, #tpu.memory_space<vmem>>
      %dma_start3A_32 = arith.constant 0 : i32
      %dma_start3A_33 = tpu.memref_slice %arg9[%add3A_17, %dma_start3A_32] : memref<10112x128xf32, #tpu.memory_space<vmem_shared>> -> memref<120x128xf32, #tpu.memory_space<vmem_shared>>
      %dma_start3A_34 = arith.constant 0 : i32
      %dma_start3A_35 = tpu.memref_slice %arg9[%add3A_17, %dma_start3A_34] : memref<10112x128xf32, #tpu.memory_space<vmem_shared>> -> memref<120x128xf32, #tpu.memory_space<vmem_shared>>
      %dma_start3A_36 = arith.constant 0 : i32
      %dma_start3A_37 = arith.constant 0 : i32
      %dma_start3A_38 = tpu.memref_slice %arg8[%dma_start3A_36, %dma_start3A_37] : memref<128x128xf32, #tpu.memory_space<vmem>> -> memref<120x128xf32, #tpu.memory_space<vmem>>
      tpu.enqueue_dma source(%dma_start3A_38 : memref<120x128xf32, #tpu.memory_space<vmem>>) target(%dma_start3A_35 : memref<120x128xf32, #tpu.memory_space<vmem_shared>>) target_semaphore(%run_scoped3A : memref<!tpu.dma_semaphore, #tpu.memory_space<semaphore_mem>>)
      %dma_wait3A = arith.constant 0 : i32
      %dma_wait3A_39 = arith.constant 0 : i32
      %dma_wait3A_40 = tpu.memref_slice %arg8[%dma_wait3A, %dma_wait3A_39] : memref<128x128xf32, #tpu.memory_space<vmem>> -> memref<120x128xf32, #tpu.memory_space<vmem>>
      %dma_wait3A_41 = arith.constant 0 : i32
      %dma_wait3A_42 = tpu.memref_slice %arg9[%add3A_17, %dma_wait3A_41] : memref<10112x128xf32, #tpu.memory_space<vmem_shared>> -> memref<120x128xf32, #tpu.memory_space<vmem_shared>>
      %dma_wait3A_43 = arith.constant 0 : i32
      %dma_wait3A_44 = tpu.memref_slice %arg9[%add3A_17, %dma_wait3A_43] : memref<10112x128xf32, #tpu.memory_space<vmem_shared>> -> memref<120x128xf32, #tpu.memory_space<vmem_shared>>
      %dma_wait3A_45 = arith.constant 0 : i32
      %dma_wait3A_46 = arith.constant 0 : i32
      %dma_wait3A_47 = tpu.memref_slice %arg8[%dma_wait3A_45, %dma_wait3A_46] : memref<128x128xf32, #tpu.memory_space<vmem>> -> memref<120x128xf32, #tpu.memory_space<vmem>>
      tpu.wait_dma2 semaphore(%run_scoped3A : memref<!tpu.dma_semaphore, #tpu.memory_space<semaphore_mem>>) src(%dma_wait3A_47 : memref<120x128xf32, #tpu.memory_space<vmem>>) dst(%dma_wait3A_44 : memref<120x128xf32, #tpu.memory_space<vmem_shared>>)
      tpu.yield
    }) : () -> ()
    "tpu.region"() ({
      %run_scoped3A = tpu.sem_alloc : memref<!tpu.dma_semaphore, #tpu.memory_space<semaphore_mem>>
      %dma_start3A = arith.constant 0 : i32
      %dma_start3A_30 = arith.constant 0 : i32
      %dma_start3A_31 = tpu.memref_slice %arg3[%add3A, %dma_start3A, %dma_start3A_30] : memref<32x79x128xi32, #tpu.memory_space<hbm>> -> memref<1x79x128xi32, #tpu.memory_space<hbm>>
      %dma_start3A_32 = tpu.memref_squeeze %dma_start3A_31 : memref<1x79x128xi32, #tpu.memory_space<hbm>> -> memref<79x128xi32, #tpu.memory_space<hbm>>
      %dma_start3A_33 = arith.constant 0 : i32
      %dma_start3A_34 = arith.constant 0 : i32
      %dma_start3A_35 = tpu.memref_slice %arg3[%add3A, %dma_start3A_33, %dma_start3A_34] : memref<32x79x128xi32, #tpu.memory_space<hbm>> -> memref<1x79x128xi32, #tpu.memory_space<hbm>>
      %dma_start3A_36 = tpu.memref_squeeze %dma_start3A_35 : memref<1x79x128xi32, #tpu.memory_space<hbm>> -> memref<79x128xi32, #tpu.memory_space<hbm>>
      tpu.enqueue_dma source(%dma_start3A_36 : memref<79x128xi32, #tpu.memory_space<hbm>>) target(%arg6 : memref<79x128xi32, #tpu.memory_space<vmem>>) target_semaphore(%run_scoped3A : memref<!tpu.dma_semaphore, #tpu.memory_space<semaphore_mem>>)
      %dma_wait3A = arith.constant 0 : i32
      %dma_wait3A_37 = arith.constant 0 : i32
      %dma_wait3A_38 = tpu.memref_slice %arg3[%add3A, %dma_wait3A, %dma_wait3A_37] : memref<32x79x128xi32, #tpu.memory_space<hbm>> -> memref<1x79x128xi32, #tpu.memory_space<hbm>>
      %dma_wait3A_39 = tpu.memref_squeeze %dma_wait3A_38 : memref<1x79x128xi32, #tpu.memory_space<hbm>> -> memref<79x128xi32, #tpu.memory_space<hbm>>
      %dma_wait3A_40 = arith.constant 0 : i32
      %dma_wait3A_41 = arith.constant 0 : i32
      %dma_wait3A_42 = tpu.memref_slice %arg3[%add3A, %dma_wait3A_40, %dma_wait3A_41] : memref<32x79x128xi32, #tpu.memory_space<hbm>> -> memref<1x79x128xi32, #tpu.memory_space<hbm>>
      %dma_wait3A_43 = tpu.memref_squeeze %dma_wait3A_42 : memref<1x79x128xi32, #tpu.memory_space<hbm>> -> memref<79x128xi32, #tpu.memory_space<hbm>>
      tpu.wait_dma2 semaphore(%run_scoped3A : memref<!tpu.dma_semaphore, #tpu.memory_space<semaphore_mem>>) src(%dma_wait3A_43 : memref<79x128xi32, #tpu.memory_space<hbm>>) dst(%arg6 : memref<79x128xi32, #tpu.memory_space<vmem>>)
      tpu.yield
    }) : () -> ()
    "tpu.region"() ({
      %run_scoped3A = tpu.sem_alloc : memref<!tpu.dma_semaphore, #tpu.memory_space<semaphore_mem>>
      %dma_start3A = arith.constant 0 : i32
      %dma_start3A_30 = arith.constant 0 : i32
      %dma_start3A_31 = tpu.memref_slice %arg4[%add3A, %dma_start3A, %dma_start3A_30] : memref<32x79x128xi32, #tpu.memory_space<hbm>> -> memref<1x79x128xi32, #tpu.memory_space<hbm>>
      %dma_start3A_32 = tpu.memref_squeeze %dma_start3A_31 : memref<1x79x128xi32, #tpu.memory_space<hbm>> -> memref<79x128xi32, #tpu.memory_space<hbm>>
      %dma_start3A_33 = arith.constant 0 : i32
      %dma_start3A_34 = arith.constant 0 : i32
      %dma_start3A_35 = tpu.memref_slice %arg4[%add3A, %dma_start3A_33, %dma_start3A_34] : memref<32x79x128xi32, #tpu.memory_space<hbm>> -> memref<1x79x128xi32, #tpu.memory_space<hbm>>
      %dma_start3A_36 = tpu.memref_squeeze %dma_start3A_35 : memref<1x79x128xi32, #tpu.memory_space<hbm>> -> memref<79x128xi32, #tpu.memory_space<hbm>>
      tpu.enqueue_dma source(%dma_start3A_36 : memref<79x128xi32, #tpu.memory_space<hbm>>) target(%arg7 : memref<79x128xi32, #tpu.memory_space<vmem>>) target_semaphore(%run_scoped3A : memref<!tpu.dma_semaphore, #tpu.memory_space<semaphore_mem>>)
      %dma_wait3A = arith.constant 0 : i32
      %dma_wait3A_37 = arith.constant 0 : i32
      %dma_wait3A_38 = tpu.memref_slice %arg4[%add3A, %dma_wait3A, %dma_wait3A_37] : memref<32x79x128xi32, #tpu.memory_space<hbm>> -> memref<1x79x128xi32, #tpu.memory_space<hbm>>
      %dma_wait3A_39 = tpu.memref_squeeze %dma_wait3A_38 : memref<1x79x128xi32, #tpu.memory_space<hbm>> -> memref<79x128xi32, #tpu.memory_space<hbm>>
      %dma_wait3A_40 = arith.constant 0 : i32
      %dma_wait3A_41 = arith.constant 0 : i32
      %dma_wait3A_42 = tpu.memref_slice %arg4[%add3A, %dma_wait3A_40, %dma_wait3A_41] : memref<32x79x128xi32, #tpu.memory_space<hbm>> -> memref<1x79x128xi32, #tpu.memory_space<hbm>>
      %dma_wait3A_43 = tpu.memref_squeeze %dma_wait3A_42 : memref<1x79x128xi32, #tpu.memory_space<hbm>> -> memref<79x128xi32, #tpu.memory_space<hbm>>
      tpu.wait_dma2 semaphore(%run_scoped3A : memref<!tpu.dma_semaphore, #tpu.memory_space<semaphore_mem>>) src(%dma_wait3A_43 : memref<79x128xi32, #tpu.memory_space<hbm>>) dst(%arg7 : memref<79x128xi32, #tpu.memory_space<vmem>>)
      tpu.yield
    }) : () -> ()
    %barrier3A = arith.constant 0 : index
    tpu.barrier barrier_id(%barrier3A)
    %scan3A_18 = arith.constant 0 : i32
    %scan3A_19 = arith.constant 0 : i32
    %scan3A_20 = arith.constant 79 : i32
    %scan3A_21 = arith.addi %scan3A_19, %scan3A_20 : i32
    %scan3A_22 = arith.constant 1 : i32
    %scan3A_23 = scf.for %scan3A_30 = %scan3A_19 to %scan3A_21 step %scan3A_22 iter_args(%scan3A_31 = %scan3A_18) -> (i32)  : i32 {
      "tpu.region"() ({
        %run_scoped3A = tpu.sem_alloc : memref<!tpu.dma_semaphore, #tpu.memory_space<semaphore_mem>>
        %dma_start3A = arith.constant 0 : i32
        %dma_start3A_33 = tpu.memref_slice %arg6[%scan3A_30, %dma_start3A] : memref<79x128xi32, #tpu.memory_space<vmem>> -> memref<1x128xi32, #tpu.memory_space<vmem>>
        %dma_start3A_34 = tpu.memref_squeeze %dma_start3A_33 : memref<1x128xi32, #tpu.memory_space<vmem>> -> memref<128xi32, #tpu.memory_space<vmem>>
        %dma_start3A_35 = arith.constant 0 : i32
        %dma_start3A_36 = arith.constant 0 : i32
        %dma_start3A_37 = tpu.memref_slice %arg2[%dma_start3A_35, %dma_start3A_36] : memref<10000x128xf32, #tpu.memory_space<hbm>> -> memref<10000x128xf32, #tpu.memory_space<hbm>>
        tpu.enqueue_indirect_dma source(%dma_start3A_37 : memref<10000x128xf32, #tpu.memory_space<hbm>>) target(%arg8 : memref<128x128xf32, #tpu.memory_space<vmem>>) offsets(%dma_start3A_34 : memref<128xi32, #tpu.memory_space<vmem>>) semaphore(%run_scoped3A : memref<!tpu.dma_semaphore, #tpu.memory_space<semaphore_mem>>)
        %dma_wait3A = arith.constant 0 : i32
        %dma_wait3A_38 = tpu.memref_slice %arg6[%scan3A_30, %dma_wait3A] : memref<79x128xi32, #tpu.memory_space<vmem>> -> memref<1x128xi32, #tpu.memory_space<vmem>>
        %dma_wait3A_39 = tpu.memref_squeeze %dma_wait3A_38 : memref<1x128xi32, #tpu.memory_space<vmem>> -> memref<128xi32, #tpu.memory_space<vmem>>
        %dma_wait3A_40 = arith.constant 0 : i32
        %dma_wait3A_41 = arith.constant 0 : i32
        %dma_wait3A_42 = tpu.memref_slice %arg2[%dma_wait3A_40, %dma_wait3A_41] : memref<10000x128xf32, #tpu.memory_space<hbm>> -> memref<10000x128xf32, #tpu.memory_space<hbm>>
        tpu.wait_indirect_dma semaphore(%run_scoped3A : memref<!tpu.dma_semaphore, #tpu.memory_space<semaphore_mem>>) src(%dma_wait3A_42 : memref<10000x128xf32, #tpu.memory_space<hbm>>) dst(%arg8 : memref<128x128xf32, #tpu.memory_space<vmem>>)
        tpu.yield
      }) : () -> ()
      "tpu.region"() ({
        %run_scoped3A = tpu.sem_alloc : memref<!tpu.dma_semaphore, #tpu.memory_space<semaphore_mem>>
        %dma_start3A = arith.constant 0 : i32
        %dma_start3A_33 = tpu.memref_slice %arg7[%scan3A_30, %dma_start3A] : memref<79x128xi32, #tpu.memory_space<vmem>> -> memref<1x128xi32, #tpu.memory_space<vmem>>
        %dma_start3A_34 = tpu.memref_squeeze %dma_start3A_33 : memref<1x128xi32, #tpu.memory_space<vmem>> -> memref<128xi32, #tpu.memory_space<vmem>>
        %dma_start3A_35 = arith.constant 0 : i32
        %dma_start3A_36 = arith.constant 0 : i32
        %dma_start3A_37 = tpu.memref_slice %arg9[%dma_start3A_35, %dma_start3A_36] : memref<10112x128xf32, #tpu.memory_space<vmem_shared>> -> memref<10112x128xf32, #tpu.memory_space<vmem_shared>>
        tpu.enqueue_indirect_dma source(%arg8 : memref<128x128xf32, #tpu.memory_space<vmem>>) target(%dma_start3A_37 : memref<10112x128xf32, #tpu.memory_space<vmem_shared>>) offsets(%dma_start3A_34 : memref<128xi32, #tpu.memory_space<vmem>>) semaphore(%run_scoped3A : memref<!tpu.dma_semaphore, #tpu.memory_space<semaphore_mem>>) {add = true}
        %dma_wait3A = arith.constant 0 : i32
        %dma_wait3A_38 = tpu.memref_slice %arg7[%scan3A_30, %dma_wait3A] : memref<79x128xi32, #tpu.memory_space<vmem>> -> memref<1x128xi32, #tpu.memory_space<vmem>>
        %dma_wait3A_39 = tpu.memref_squeeze %dma_wait3A_38 : memref<1x128xi32, #tpu.memory_space<vmem>> -> memref<128xi32, #tpu.memory_space<vmem>>
        %dma_wait3A_40 = arith.constant 0 : i32
        %dma_wait3A_41 = arith.constant 0 : i32
        %dma_wait3A_42 = tpu.memref_slice %arg9[%dma_wait3A_40, %dma_wait3A_41] : memref<10112x128xf32, #tpu.memory_space<vmem_shared>> -> memref<10112x128xf32, #tpu.memory_space<vmem_shared>>
        tpu.wait_indirect_dma semaphore(%run_scoped3A : memref<!tpu.dma_semaphore, #tpu.memory_space<semaphore_mem>>) src(%arg8 : memref<128x128xf32, #tpu.memory_space<vmem>>) dst(%dma_wait3A_42 : memref<10112x128xf32, #tpu.memory_space<vmem_shared>>)
        tpu.yield
      }) : () -> ()
      %scan3A_32 = arith.constant 0 : i32
      scf.yield %scan3A_32 : i32
    }
    %scan3A_24 = arith.constant 79 : i32
    %barrier3A_25 = arith.constant 0 : index
    tpu.barrier barrier_id(%barrier3A_25)
    %mul3A_26 = arith.constant 632 : i32
    %mul3A_27 = arith.muli %arg1, %mul3A_26 : i32
    %mul3A_28 = arith.constant 632 : i32
    %mul3A_29 = arith.muli %arg1, %mul3A_28 : i32
    "tpu.region"() ({
      %run_scoped3A = tpu.sem_alloc : memref<!tpu.dma_semaphore, #tpu.memory_space<semaphore_mem>>
      %dma_start3A = arith.constant 0 : i32
      %dma_start3A_30 = tpu.memref_slice %arg5[%arg0, %mul3A_29, %dma_start3A] : memref<2x10112x128xf32, #tpu.memory_space<hbm>> -> memref<1x632x128xf32, #tpu.memory_space<hbm>>
      %dma_start3A_31 = tpu.memref_squeeze %dma_start3A_30 : memref<1x632x128xf32, #tpu.memory_space<hbm>> -> memref<632x128xf32, #tpu.memory_space<hbm>>
      %dma_start3A_32 = arith.constant 0 : i32
      %dma_start3A_33 = tpu.memref_slice %arg9[%mul3A_27, %dma_start3A_32] : memref<10112x128xf32, #tpu.memory_space<vmem_shared>> -> memref<632x128xf32, #tpu.memory_space<vmem_shared>>
      tpu.enqueue_dma source(%dma_start3A_33 : memref<632x128xf32, #tpu.memory_space<vmem_shared>>) target(%dma_start3A_31 : memref<632x128xf32, #tpu.memory_space<hbm>>) target_semaphore(%run_scoped3A : memref<!tpu.dma_semaphore, #tpu.memory_space<semaphore_mem>>)
      %dma_wait3A = arith.constant 0 : i32
      %dma_wait3A_34 = tpu.memref_slice %arg5[%arg0, %mul3A_29, %dma_wait3A] : memref<2x10112x128xf32, #tpu.memory_space<hbm>> -> memref<1x632x128xf32, #tpu.memory_space<hbm>>
      %dma_wait3A_35 = tpu.memref_squeeze %dma_wait3A_34 : memref<1x632x128xf32, #tpu.memory_space<hbm>> -> memref<632x128xf32, #tpu.memory_space<hbm>>
      %dma_wait3A_36 = arith.constant 0 : i32
      %dma_wait3A_37 = tpu.memref_slice %arg9[%mul3A_27, %dma_wait3A_36] : memref<10112x128xf32, #tpu.memory_space<vmem_shared>> -> memref<632x128xf32, #tpu.memory_space<vmem_shared>>
      tpu.wait_dma2 semaphore(%run_scoped3A : memref<!tpu.dma_semaphore, #tpu.memory_space<semaphore_mem>>) src(%dma_wait3A_37 : memref<632x128xf32, #tpu.memory_space<vmem_shared>>) dst(%dma_wait3A_35 : memref<632x128xf32, #tpu.memory_space<hbm>>)
      tpu.yield
    }) : () -> ()
    return
  }
}

module attributes {stable_mosaic.version = 14 : i64} {
  func.func @body(%arg0: i32, %arg1: memref<1000x128xf32, #tpu.memory_space<vmem>>, %arg2: memref<2x1000x1xf32, #tpu.memory_space<vmem>>, %arg3: memref<128x128xf32, #tpu.memory_space<vmem>>, %arg4: memref<128x128xf32, #tpu.memory_space<vmem>>, %arg5: memref<1x128xf32, #tpu.memory_space<vmem>>, %arg6: memref<1000x128xf32, #tpu.memory_space<vmem>>, %arg7: memref<1000x128xf32, #tpu.memory_space<vmem>>, %arg8: memref<1000x1xf32, #tpu.memory_space<vmem>>) attributes {dimension_semantics = [#tpu.dimension_semantics<arbitrary>], iteration_bounds = array<i64: 10>, scalar_prefetch = 0 : i64, scratch_operands = 0 : i64, tpu.core_type = #tpu.core_type<tc>, window_params = [{transform_indices = @transform_0, window_bounds = array<i64: 1000, 128>}, {transform_indices = @transform_1, window_bounds = array<i64: 2, 1000, 1>}, {pipeline_mode = #tpu.pipeline_mode<synchronous>, transform_indices = @transform_2, window_bounds = array<i64: 128, 128>}, {pipeline_mode = #tpu.pipeline_mode<synchronous>, transform_indices = @transform_3, window_bounds = array<i64: 128, 128>}, {pipeline_mode = #tpu.pipeline_mode<synchronous>, transform_indices = @transform_4, window_bounds = array<i64: 1, 128>}, {transform_indices = @transform_5, window_bounds = array<i64: 1000, 128>}, {transform_indices = @transform_6, window_bounds = array<i64: 1000, 128>}, {transform_indices = @transform_7, window_bounds = array<i64: 1000, 1>}]} {
    %get3A = arith.constant 0 : index
    %get3A_0 = arith.constant 0 : index
    %get3A_1 = arith.constant 0 : index
    %get3A_2 = vector.load %arg2[%get3A, %get3A_0, %get3A_1] : memref<2x1000x1xf32, #tpu.memory_space<vmem>>, vector<1x1000x1xf32>
    %get3A_3 = vector.shape_cast %get3A_2 : vector<1x1000x1xf32> to vector<1000x1xf32>
    %get3A_4 = arith.constant 1 : index
    %get3A_5 = arith.constant 0 : index
    %get3A_6 = arith.constant 0 : index
    %get3A_7 = vector.load %arg2[%get3A_4, %get3A_5, %get3A_6] : memref<2x1000x1xf32, #tpu.memory_space<vmem>>, vector<1x1000x1xf32>
    %get3A_8 = vector.shape_cast %get3A_7 : vector<1x1000x1xf32> to vector<1000x1xf32>
    %add3A = arith.addf %get3A_3, %get3A_8 : vector<1000x1xf32>
    %add3A_9 = arith.constant 1.000000e+00 : f32
    %add3A_10 = vector.broadcast %add3A_9 : f32 to vector<1000x1xf32>
    %add3A_11 = arith.addf %add3A, %add3A_10 : vector<1000x1xf32>
    %rsqrt3A = math.rsqrt %add3A_11 : vector<1000x1xf32>
    %swap3A = arith.constant 0 : index
    %swap3A_12 = arith.constant 0 : index
    %swap3A_13 = vector.load %arg8[%swap3A, %swap3A_12] : memref<1000x1xf32, #tpu.memory_space<vmem>>, vector<1000x1xf32>
    tpu.vector_store %arg8[%swap3A, %swap3A_12], %rsqrt3A {strides = array<i32>} : memref<1000x1xf32, #tpu.memory_space<vmem>>, vector<1000x1xf32>,
    %get3A_14 = arith.constant 0 : index
    %get3A_15 = arith.constant 0 : index
    %get3A_16 = vector.load %arg1[%get3A_14, %get3A_15] : memref<1000x128xf32, #tpu.memory_space<vmem>>, vector<1000x128xf32>
    %get3A_17 = arith.constant 0 : index
    %get3A_18 = arith.constant 0 : index
    %get3A_19 = vector.load %arg3[%get3A_17, %get3A_18] : memref<128x128xf32, #tpu.memory_space<vmem>>, vector<128x128xf32>
    %dot_general3A = arith.constant dense<0.000000e+00> : vector<1000x128xf32>
    %dot_general3A_20 = tpu.matmul %get3A_16, %get3A_19, %dot_general3A {dimension_numbers = #tpu.dot_dimension_numbers<[1], [0], [0], [1], [0, 0, 1, 1], [], []>, transpose_lhs_hint = false} : vector<1000x128xf32>, vector<128x128xf32>, vector<1000x128xf32> -> vector<1000x128xf32>
    %mul3A = vector.broadcast %rsqrt3A : vector<1000x1xf32> to vector<1000x128xf32>
    %mul3A_21 = arith.mulf %dot_general3A_20, %mul3A : vector<1000x128xf32>
    %swap3A_22 = arith.constant 0 : index
    %swap3A_23 = arith.constant 0 : index
    %swap3A_24 = vector.load %arg6[%swap3A_22, %swap3A_23] : memref<1000x128xf32, #tpu.memory_space<vmem>>, vector<1000x128xf32>
    tpu.vector_store %arg6[%swap3A_22, %swap3A_23], %mul3A_21 {strides = array<i32>} : memref<1000x128xf32, #tpu.memory_space<vmem>>, vector<1000x128xf32>,
    %get3A_25 = arith.constant 0 : index
    %get3A_26 = arith.constant 0 : index
    %get3A_27 = vector.load %arg4[%get3A_25, %get3A_26] : memref<128x128xf32, #tpu.memory_space<vmem>>, vector<128x128xf32>
    %dot_general3A_28 = arith.constant dense<0.000000e+00> : vector<1000x128xf32>
    %dot_general3A_29 = tpu.matmul %get3A_16, %get3A_27, %dot_general3A_28 {dimension_numbers = #tpu.dot_dimension_numbers<[1], [0], [0], [1], [0, 0, 1, 1], [], []>, transpose_lhs_hint = false} : vector<1000x128xf32>, vector<128x128xf32>, vector<1000x128xf32> -> vector<1000x128xf32>
    %get3A_30 = arith.constant 0 : index
    %get3A_31 = arith.constant 0 : index
    %get3A_32 = vector.load %arg5[%get3A_30, %get3A_31] : memref<1x128xf32, #tpu.memory_space<vmem>>, vector<1x128xf32>
    %add3A_33 = vector.broadcast %get3A_32 : vector<1x128xf32> to vector<1000x128xf32>
    %add3A_34 = arith.addf %dot_general3A_29, %add3A_33 : vector<1000x128xf32>
    %swap3A_35 = arith.constant 0 : index
    %swap3A_36 = arith.constant 0 : index
    %swap3A_37 = vector.load %arg7[%swap3A_35, %swap3A_36] : memref<1000x128xf32, #tpu.memory_space<vmem>>, vector<1000x128xf32>
    tpu.vector_store %arg7[%swap3A_35, %swap3A_36], %add3A_34 {strides = array<i32>} : memref<1000x128xf32, #tpu.memory_space<vmem>>, vector<1000x128xf32>,
    return
  }
  func.func @transform_0(%arg0: i32) -> (i32, i32) {
    %c0_i32 = arith.constant 0 : i32
    %c0_i32_0 = arith.constant 0 : i32
    return %arg0, %c0_i32 : i32, i32
  }
  func.func @transform_1(%arg0: i32) -> (i32, i32, i32) {
    %c0_i32 = arith.constant 0 : i32
    %c0_i32_0 = arith.constant 0 : i32
    %c0_i32_1 = arith.constant 0 : i32
    return %c0_i32, %arg0, %c0_i32_0 : i32, i32, i32
  }
  func.func @transform_2(%arg0: i32) -> (i32, i32) {
    %c0_i32 = arith.constant 0 : i32
    %c0_i32_0 = arith.constant 0 : i32
    %c0_i32_1 = arith.constant 0 : i32
    return %c0_i32, %c0_i32_0 : i32, i32
  }
  func.func @transform_3(%arg0: i32) -> (i32, i32) {
    %c0_i32 = arith.constant 0 : i32
    %c0_i32_0 = arith.constant 0 : i32
    %c0_i32_1 = arith.constant 0 : i32
    return %c0_i32, %c0_i32_0 : i32, i32
  }
  func.func @transform_4(%arg0: i32) -> (i32, i32) {
    %c0_i32 = arith.constant 0 : i32
    %c0_i32_0 = arith.constant 0 : i32
    %c0_i32_1 = arith.constant 0 : i32
    return %c0_i32, %c0_i32_0 : i32, i32
  }
  func.func @transform_5(%arg0: i32) -> (i32, i32) {
    %c0_i32 = arith.constant 0 : i32
    %c0_i32_0 = arith.constant 0 : i32
    return %arg0, %c0_i32 : i32, i32
  }
  func.func @transform_6(%arg0: i32) -> (i32, i32) {
    %c0_i32 = arith.constant 0 : i32
    %c0_i32_0 = arith.constant 0 : i32
    return %arg0, %c0_i32 : i32, i32
  }
  func.func @transform_7(%arg0: i32) -> (i32, i32) {
    %c0_i32 = arith.constant 0 : i32
    %c0_i32_0 = arith.constant 0 : i32
    return %arg0, %c0_i32 : i32, i32
  }
}

module attributes {stable_mosaic.version = 14 : i64} {
  func.func @body(%arg0: i32, %arg1: memref<2x1000x128xf32, #tpu.memory_space<vmem>>, %arg2: memref<1000x128xf32, #tpu.memory_space<vmem>>, %arg3: memref<1000x1xf32, #tpu.memory_space<vmem>>, %arg4: memref<1x128xf32, #tpu.memory_space<vmem>>, %arg5: memref<128x128xf32, #tpu.memory_space<vmem>>, %arg6: memref<1000x128xf32, #tpu.memory_space<vmem>>) attributes {dimension_semantics = [#tpu.dimension_semantics<arbitrary>], iteration_bounds = array<i64: 10>, scalar_prefetch = 0 : i64, scratch_operands = 0 : i64, tpu.core_type = #tpu.core_type<tc>, window_params = [{transform_indices = @transform_0, window_bounds = array<i64: 2, 1000, 128>}, {transform_indices = @transform_1, window_bounds = array<i64: 1000, 128>}, {transform_indices = @transform_2, window_bounds = array<i64: 1000, 1>}, {pipeline_mode = #tpu.pipeline_mode<synchronous>, transform_indices = @transform_3, window_bounds = array<i64: 1, 128>}, {pipeline_mode = #tpu.pipeline_mode<synchronous>, transform_indices = @transform_4, window_bounds = array<i64: 128, 128>}, {transform_indices = @transform_5, window_bounds = array<i64: 1000, 128>}]} {
    %get3A = arith.constant 0 : index
    %get3A_0 = arith.constant 0 : index
    %get3A_1 = vector.load %arg3[%get3A, %get3A_0] : memref<1000x1xf32, #tpu.memory_space<vmem>>, vector<1000x1xf32>
    %get3A_2 = arith.constant 0 : index
    %get3A_3 = arith.constant 0 : index
    %get3A_4 = arith.constant 0 : index
    %get3A_5 = vector.load %arg1[%get3A_2, %get3A_3, %get3A_4] : memref<2x1000x128xf32, #tpu.memory_space<vmem>>, vector<1x1000x128xf32>
    %get3A_6 = vector.shape_cast %get3A_5 : vector<1x1000x128xf32> to vector<1000x128xf32>
    %get3A_7 = arith.constant 1 : index
    %get3A_8 = arith.constant 0 : index
    %get3A_9 = arith.constant 0 : index
    %get3A_10 = vector.load %arg1[%get3A_7, %get3A_8, %get3A_9] : memref<2x1000x128xf32, #tpu.memory_space<vmem>>, vector<1x1000x128xf32>
    %get3A_11 = vector.shape_cast %get3A_10 : vector<1x1000x128xf32> to vector<1000x128xf32>
    %add3A = arith.addf %get3A_6, %get3A_11 : vector<1000x128xf32>
    %get3A_12 = arith.constant 0 : index
    %get3A_13 = arith.constant 0 : index
    %get3A_14 = vector.load %arg2[%get3A_12, %get3A_13] : memref<1000x128xf32, #tpu.memory_space<vmem>>, vector<1000x128xf32>
    %add3A_15 = arith.addf %add3A, %get3A_14 : vector<1000x128xf32>
    %mul3A = vector.broadcast %get3A_1 : vector<1000x1xf32> to vector<1000x128xf32>
    %mul3A_16 = arith.mulf %add3A_15, %mul3A : vector<1000x128xf32>
    %get3A_17 = arith.constant 0 : index
    %get3A_18 = arith.constant 0 : index
    %get3A_19 = vector.load %arg4[%get3A_17, %get3A_18] : memref<1x128xf32, #tpu.memory_space<vmem>>, vector<1x128xf32>
    %add3A_20 = vector.broadcast %get3A_19 : vector<1x128xf32> to vector<1000x128xf32>
    %add3A_21 = arith.addf %mul3A_16, %add3A_20 : vector<1000x128xf32>
    %max3A = arith.constant 0.000000e+00 : f32
    %max3A_22 = vector.broadcast %max3A : f32 to vector<1000x128xf32>
    %max3A_23 = arith.maximumf %add3A_21, %max3A_22 : vector<1000x128xf32>
    %get3A_24 = arith.constant 0 : index
    %get3A_25 = arith.constant 0 : index
    %get3A_26 = vector.load %arg5[%get3A_24, %get3A_25] : memref<128x128xf32, #tpu.memory_space<vmem>>, vector<128x128xf32>
    %dot_general3A = arith.constant dense<0.000000e+00> : vector<1000x128xf32>
    %dot_general3A_27 = tpu.matmul %max3A_23, %get3A_26, %dot_general3A {dimension_numbers = #tpu.dot_dimension_numbers<[1], [0], [0], [1], [0, 0, 1, 1], [], []>, transpose_lhs_hint = false} : vector<1000x128xf32>, vector<128x128xf32>, vector<1000x128xf32> -> vector<1000x128xf32>
    %mul3A_28 = vector.broadcast %get3A_1 : vector<1000x1xf32> to vector<1000x128xf32>
    %mul3A_29 = arith.mulf %dot_general3A_27, %mul3A_28 : vector<1000x128xf32>
    %swap3A = arith.constant 0 : index
    %swap3A_30 = arith.constant 0 : index
    %swap3A_31 = vector.load %arg6[%swap3A, %swap3A_30] : memref<1000x128xf32, #tpu.memory_space<vmem>>, vector<1000x128xf32>
    tpu.vector_store %arg6[%swap3A, %swap3A_30], %mul3A_29 {strides = array<i32>} : memref<1000x128xf32, #tpu.memory_space<vmem>>, vector<1000x128xf32>,
    return
  }
  func.func @transform_0(%arg0: i32) -> (i32, i32, i32) {
    %c0_i32 = arith.constant 0 : i32
    %c0_i32_0 = arith.constant 0 : i32
    %c0_i32_1 = arith.constant 0 : i32
    return %c0_i32, %arg0, %c0_i32_0 : i32, i32, i32
  }
  func.func @transform_1(%arg0: i32) -> (i32, i32) {
    %c0_i32 = arith.constant 0 : i32
    %c0_i32_0 = arith.constant 0 : i32
    return %arg0, %c0_i32 : i32, i32
  }
  func.func @transform_2(%arg0: i32) -> (i32, i32) {
    %c0_i32 = arith.constant 0 : i32
    %c0_i32_0 = arith.constant 0 : i32
    return %arg0, %c0_i32 : i32, i32
  }
  func.func @transform_3(%arg0: i32) -> (i32, i32) {
    %c0_i32 = arith.constant 0 : i32
    %c0_i32_0 = arith.constant 0 : i32
    %c0_i32_1 = arith.constant 0 : i32
    return %c0_i32, %c0_i32_0 : i32, i32
  }
  func.func @transform_4(%arg0: i32) -> (i32, i32) {
    %c0_i32 = arith.constant 0 : i32
    %c0_i32_0 = arith.constant 0 : i32
    %c0_i32_1 = arith.constant 0 : i32
    return %c0_i32, %c0_i32_0 : i32, i32
  }
  func.func @transform_5(%arg0: i32) -> (i32, i32) {
    %c0_i32 = arith.constant 0 : i32
    %c0_i32_0 = arith.constant 0 : i32
    return %arg0, %c0_i32 : i32, i32
  }
}

module attributes {stable_mosaic.version = 14 : i64} {
  func.func @body(%arg0: i32, %arg1: memref<2x1000x128xf32, #tpu.memory_space<vmem>>, %arg2: memref<1000x128xf32, #tpu.memory_space<vmem>>, %arg3: memref<1000x1xf32, #tpu.memory_space<vmem>>, %arg4: memref<1x128xf32, #tpu.memory_space<vmem>>, %arg5: memref<1000x128xf32, #tpu.memory_space<vmem>>, %arg6: memref<1000x128xf32, #tpu.memory_space<vmem>>) attributes {dimension_semantics = [#tpu.dimension_semantics<arbitrary>], iteration_bounds = array<i64: 10>, scalar_prefetch = 0 : i64, scratch_operands = 0 : i64, tpu.core_type = #tpu.core_type<tc>, window_params = [{transform_indices = @transform_0, window_bounds = array<i64: 2, 1000, 128>}, {transform_indices = @transform_1, window_bounds = array<i64: 1000, 128>}, {transform_indices = @transform_2, window_bounds = array<i64: 1000, 1>}, {pipeline_mode = #tpu.pipeline_mode<synchronous>, transform_indices = @transform_3, window_bounds = array<i64: 1, 128>}, {transform_indices = @transform_4, window_bounds = array<i64: 1000, 128>}, {transform_indices = @transform_5, window_bounds = array<i64: 1000, 128>}]} {
    %get3A = arith.constant 0 : index
    %get3A_0 = arith.constant 0 : index
    %get3A_1 = arith.constant 0 : index
    %get3A_2 = vector.load %arg1[%get3A, %get3A_0, %get3A_1] : memref<2x1000x128xf32, #tpu.memory_space<vmem>>, vector<1x1000x128xf32>
    %get3A_3 = vector.shape_cast %get3A_2 : vector<1x1000x128xf32> to vector<1000x128xf32>
    %get3A_4 = arith.constant 1 : index
    %get3A_5 = arith.constant 0 : index
    %get3A_6 = arith.constant 0 : index
    %get3A_7 = vector.load %arg1[%get3A_4, %get3A_5, %get3A_6] : memref<2x1000x128xf32, #tpu.memory_space<vmem>>, vector<1x1000x128xf32>
    %get3A_8 = vector.shape_cast %get3A_7 : vector<1x1000x128xf32> to vector<1000x128xf32>
    %add3A = arith.addf %get3A_3, %get3A_8 : vector<1000x128xf32>
    %get3A_9 = arith.constant 0 : index
    %get3A_10 = arith.constant 0 : index
    %get3A_11 = vector.load %arg2[%get3A_9, %get3A_10] : memref<1000x128xf32, #tpu.memory_space<vmem>>, vector<1000x128xf32>
    %add3A_12 = arith.addf %add3A, %get3A_11 : vector<1000x128xf32>
    %get3A_13 = arith.constant 0 : index
    %get3A_14 = arith.constant 0 : index
    %get3A_15 = vector.load %arg3[%get3A_13, %get3A_14] : memref<1000x1xf32, #tpu.memory_space<vmem>>, vector<1000x1xf32>
    %mul3A = vector.broadcast %get3A_15 : vector<1000x1xf32> to vector<1000x128xf32>
    %mul3A_16 = arith.mulf %add3A_12, %mul3A : vector<1000x128xf32>
    %get3A_17 = arith.constant 0 : index
    %get3A_18 = arith.constant 0 : index
    %get3A_19 = vector.load %arg4[%get3A_17, %get3A_18] : memref<1x128xf32, #tpu.memory_space<vmem>>, vector<1x128xf32>
    %add3A_20 = vector.broadcast %get3A_19 : vector<1x128xf32> to vector<1000x128xf32>
    %add3A_21 = arith.addf %mul3A_16, %add3A_20 : vector<1000x128xf32>
    %max3A = arith.constant 0.000000e+00 : f32
    %max3A_22 = vector.broadcast %max3A : f32 to vector<1000x128xf32>
    %max3A_23 = arith.maximumf %add3A_21, %max3A_22 : vector<1000x128xf32>
    %get3A_24 = arith.constant 0 : index
    %get3A_25 = arith.constant 0 : index
    %get3A_26 = vector.load %arg5[%get3A_24, %get3A_25] : memref<1000x128xf32, #tpu.memory_space<vmem>>, vector<1000x128xf32>
    %add3A_27 = arith.addf %max3A_23, %get3A_26 : vector<1000x128xf32>
    %swap3A = arith.constant 0 : index
    %swap3A_28 = arith.constant 0 : index
    %swap3A_29 = vector.load %arg6[%swap3A, %swap3A_28] : memref<1000x128xf32, #tpu.memory_space<vmem>>, vector<1000x128xf32>
    tpu.vector_store %arg6[%swap3A, %swap3A_28], %add3A_27 {strides = array<i32>} : memref<1000x128xf32, #tpu.memory_space<vmem>>, vector<1000x128xf32>,
    return
  }
  func.func @transform_0(%arg0: i32) -> (i32, i32, i32) {
    %c0_i32 = arith.constant 0 : i32
    %c0_i32_0 = arith.constant 0 : i32
    %c0_i32_1 = arith.constant 0 : i32
    return %c0_i32, %arg0, %c0_i32_0 : i32, i32, i32
  }
  func.func @transform_1(%arg0: i32) -> (i32, i32) {
    %c0_i32 = arith.constant 0 : i32
    %c0_i32_0 = arith.constant 0 : i32
    return %arg0, %c0_i32 : i32, i32
  }
  func.func @transform_2(%arg0: i32) -> (i32, i32) {
    %c0_i32 = arith.constant 0 : i32
    %c0_i32_0 = arith.constant 0 : i32
    return %arg0, %c0_i32 : i32, i32
  }
  func.func @transform_3(%arg0: i32) -> (i32, i32) {
    %c0_i32 = arith.constant 0 : i32
    %c0_i32_0 = arith.constant 0 : i32
    %c0_i32_1 = arith.constant 0 : i32
    return %c0_i32, %c0_i32_0 : i32, i32
  }
  func.func @transform_4(%arg0: i32) -> (i32, i32) {
    %c0_i32 = arith.constant 0 : i32
    %c0_i32_0 = arith.constant 0 : i32
    return %arg0, %c0_i32 : i32, i32
  }
  func.func @transform_5(%arg0: i32) -> (i32, i32) {
    %c0_i32 = arith.constant 0 : i32
    %c0_i32_0 = arith.constant 0 : i32
    return %arg0, %c0_i32 : i32, i32
  }
}

</mosaic_0001>

<sc_bundles>
// kernel: kernel.11.cloned.1.call-start
scs
__scs_entry_jumppad:
0x0: {  	(pc) =	sbr.rel $0x88, $3  }
0x1: {  	(tag) =	ssettag $0x0;
	lr =	simm.s32 $0x1  }
0x2: {  	[smem:$0x3F99] =	sst lr;
	_ =	strace $0xD0000000  }
0x3: {  	_ = 	snop  }
0x4: {  	_ = 	snop  }
0x5: {  	_ = 	snop  }
0x6: {  	_ = 	snop  }
0x7: {  	_ = 	snop  }
__scs_overlays_trampoline_lowered:
0x8: {  	[smem:$0x3FA8] =	sst s0  }
0x9: {  	[smem:$0x3FA9] =	sst s1  }
0xa: {  	[smem:$0x3FAA] =	sst s2  }
0xb: {  	[smem:$0x3FAB] =	sst s3  }
0xc: {  	[smem:$0x3FAC] =	sst s4  }
0xd: {  	[smem:$0x3FAD] =	sst s5  }
0xe: {  	[smem:$0x3FAE] =	sst s6  }
0xf: {  	[smem:$0x3FAF] =	sst s7  }
0x10: {  	[smem:$0x3FB0] =	sst s8  }
0x11: {  	[smem:$0x3FB1] =	sst s9;
	s0 =	simm.s32 @!p0 $0x0  }
0x12: {  	s1 =	sld [smem:$0x3F97];
	s0 =	simm.s32 @p0 $0x1  }
0x13: {  	[smem:$0x3FB2] =	sst s0;
	s0 =	simm.s32 @!p1 $0x0  }
0x14: {  	s2 =	sld [smem:$0x3F96];
	s0 =	simm.s32 @p1 $0x1  }
0x15: {  	[smem:$0x3FB3] =	sst s0;
	s0 =	simm.s32 @!p2 $0x0  }
0x16: {  	s3 =	sld [smem:$0x3FDB];
	s0 =	simm.s32 @p2 $0x1  }
0x17: {  	s4 =	simm.s32 $0x1BF5;
	[smem:$0x3FB5] =	sst s0  }
0x18: {  	s0 =	sld [smem:$0x3F98];
	_ =	swait.ge [sflag:s4], $0x0  }
0x19: {  	s7 =	sld [smem:$0x3F99]  }
0x1a: {  	s8 =	sadd.s32 $0xFFFFE003, lr  }
0x1b: {  	s9 =	sadd.s32 $0xFFFFFEF7, lr;
	s5 =	simm.s32 $0xFFFFFFFF;
	p2 =	slt.u32 s8, $0xFFFFF086  }
0x1c: {  	p1 =	slt.u32 s9, $0xF7A;
	s5 =	simm.s32 @!p2 $0x0  }
0x1d: {  	s5 =	simm.s32 @p1 $0x1;
	p0 =	seq.s32 s7, s2  }
0x1e: {  	s7 =	smul.u32 @!p0 $0xF7A, s2;
	p2 =	seq.s32 @!p0 s5, $0x0  }
0x1f: {  	s9 =	smul.u32 $0xF7A, s1;
	s8 =	simm.s32 @!p0 $0x1BF5;
	p2 =	por !p2, p0  }
0x20: {  	[sflag:s8] =	ssyncset.s32 @!p0 $0xFFFFF086;
	s6 =	sadd.s32 @!p0 s3, s7;
	s7 =	simm.s32 @!p0 $0x108  }
0x21: {  	s3 =	sadd.s32 s3, s9;
	s6 =	sadd.s32 @!p0 $0x88, s6;
	s7 =	simm.s32 @p2 $0x1082  }
0x22: {  	[simem:s7], [sflag:s8] =	dma.local @!p0 [hbm:s6], $0xF7A  }
0x23: {  	s9 =	sor.u32 $0xD0000000, s2;
	s6 =	simm.s32 $0x108;
	_ =	swait.ge @!p0 [sflag:s8], $0x0  }
0x24: {  	s3 =	sadd.s32 $0x88, s3;
	s6 =	simm.s32 @!p1 $0x1082;
	[sflag:s4] =	ssyncset.s32 $0xFFFFF086  }
0x25: {  	[simem:s6], [sflag:s4] =	dma.local [hbm:s3], $0xF7A  }
0x26: {  	[smem:$0x3F99] =	sst s1;
	(tag) =	ssettag s2;
	_ =	strace s9  }
0x27: {  	s1 =	sld [smem:$0x3FA9]  }
0x28: {  	s2 =	sld [smem:$0x3FAA]  }
0x29: {  	s4 =	sld [smem:$0x3FAC]  }
0x2a: {  	p0 =	seq.s32 s5, $0x0;
	s5 =	sld [smem:$0x3FAD]  }
0x2b: {  	s6 =	sld [smem:$0x3FAE]  }
0x2c: {  	s7 =	sld [smem:$0x3FAF]  }
0x2d: {  	s3 =	simm.s32 $0x108;
	s8 =	sld [smem:$0x3FB0]  }
0x2e: {  	s3 =	simm.s32 @!p0 $0x1082;
	s9 =	sld [smem:$0x3FB1]  }
0x2f: {  	lr =	sadd.s32 s0, s3;
	s0 =	sld [smem:$0x3FA8]  }
0x30: {  	s3 =	sld [smem:$0x3FAB]  }
0x31: {  	[smem:$0x3FB4] =	sst s10  }
0x32: {  	s10 =	sld [smem:$0x3FB2];
	_ =	sdelay $0x3  }
0x33: {  	p0 =	seq.s32 s10, $0x1;
	s10 =	sld [smem:$0x3FB4];
	_ =	sdelay $0x3  }
0x34: {  	[smem:$0x3FB4] =	sst s10  }
0x35: {  	s10 =	sld [smem:$0x3FB3];
	_ =	sdelay $0x3  }
0x36: {  	p1 =	seq.s32 s10, $0x1;
	s10 =	sld [smem:$0x3FB4];
	_ =	sdelay $0x3  }
0x37: {  	[smem:$0x3FB4] =	sst s10  }
0x38: {  	s10 =	sld [smem:$0x3FB5]  }
0x39: {  	_ = 	snop;
	(pc) =	sbr.ind lr, $3  }
0x3a: {  	_ = 	snop  }
0x3b: {  	_ = 	snop  }
0x3c: {  	p2 =	seq.s32 s10, $0x1;
	s10 =	sld [smem:$0x3FB4]  }
0x3d: {  	_ =	shalt  }
0x3e: {  	_ =	shalt  }
0x3f: {  	_ =	shalt  }
0x40: {  	_ =	shalt  }
0x41: {  	_ =	shalt  }
0x42: {  	_ =	shalt  }
0x43: {  	_ =	shalt  }
0x44: {  	_ =	shalt  }
0x45: {  	_ =	shalt  }
0x46: {  	_ =	shalt  }
0x47: {  	_ =	shalt  }
0x48: {  	_ =	shalt  }
0x49: {  	_ =	shalt  }
0x4a: {  	_ =	shalt  }
0x4b: {  	_ =	shalt  }
0x4c: {  	_ =	shalt  }
0x4d: {  	_ =	shalt  }
0x4e: {  	_ =	shalt  }
0x4f: {  	_ =	shalt  }
0x50: {  	_ =	shalt  }
0x51: {  	_ =	shalt  }
0x52: {  	_ =	shalt  }
0x53: {  	_ =	shalt  }
0x54: {  	_ =	shalt  }
0x55: {  	_ =	shalt  }
0x56: {  	_ =	shalt  }
0x57: {  	_ =	shalt  }
0x58: {  	_ =	shalt  }
0x59: {  	_ =	shalt  }
0x5a: {  	_ =	shalt  }
0x5b: {  	_ =	shalt  }
0x5c: {  	_ =	shalt  }
0x5d: {  	_ =	shalt  }
0x5e: {  	_ =	shalt  }
0x5f: {  	_ =	shalt  }
0x60: {  	_ =	shalt  }
0x61: {  	_ =	shalt  }
0x62: {  	_ =	shalt  }
0x63: {  	_ =	shalt  }
0x64: {  	_ =	shalt  }
0x65: {  	_ =	shalt  }
0x66: {  	_ =	shalt  }
0x67: {  	_ =	shalt  }
0x68: {  	_ =	shalt  }
0x69: {  	_ =	shalt  }
0x6a: {  	_ =	shalt  }
0x6b: {  	_ =	shalt  }
0x6c: {  	_ =	shalt  }
0x6d: {  	_ =	shalt  }
0x6e: {  	_ =	shalt  }
0x6f: {  	_ =	shalt  }
0x70: {  	_ =	shalt  }
0x71: {  	_ =	shalt  }
0x72: {  	_ =	shalt  }
0x73: {  	_ =	shalt  }
0x74: {  	_ =	shalt  }
0x75: {  	_ =	shalt  }
0x76: {  	_ =	shalt  }
0x77: {  	_ =	shalt  }
0x78: {  	_ =	shalt  }
0x79: {  	_ =	shalt  }
0x7a: {  	_ =	shalt  }
0x7b: {  	_ =	shalt  }
0x7c: {  	_ =	shalt  }
0x7d: {  	_ =	shalt  }
0x7e: {  	_ =	shalt  }
0x7f: {  	_ =	shalt  }
0x80: {  	_ =	shalt  }
0x81: {  	_ =	shalt  }
0x82: {  	_ =	shalt  }
0x83: {  	_ =	shalt  }
0x84: {  	_ =	shalt  }
0x85: {  	_ =	shalt  }
0x86: {  	_ =	shalt  }
0x87: {  	_ =	shalt  }
.Lfunc_end0:
.L_simem_size_0:
called_computation.1_lowered:
.L_overlay_start_0:
0x88: {  	s2 =	sld [smem:$0x3FD9]  }
0x89: {  	s3 =	sld [smem:$0x3FFE];
	_ =	sdelay $0x1  }
0x8a: {  	s1 =	srdreg.scid  }
0x8b: {  	s0 =	sand.u32 $0x1, s1  }
0x8c: {  	s17 =	sshll.u32 s0, $0xA;
	s2 =	sadd.s32 s3, s2  }
0x8d: {  	s2 =	sadd.s32 s2, s17  }
0x8e: {  	[smem:$0x3FC0] =	sst s2  }
0x8f: {  	_ = 	snop  }
0x90: {  	s2 =	sld [smem:$0x3FD0];
	(tm) =	ssettm $0x1  }
0x91: {  	s18 =	sld [smem:$0x3FFB];
	_ =	sdelay $0x3  }
0x92: {  	_ =	strace s18  }
0x93: {  	s3 =	sld [smem:$0x3FFC];
	_ =	sdelay $0x3  }
0x94: {  	_ =	strace s3  }
0x95: {  	s3 =	sld [smem:$0x3FFD];
	_ =	sdelay $0x3  }
0x96: {  	_ =	strace s3  }
0x97: {  	_ =	strace $0x8FFFFFFF  }
0x98: {  	s19 =	sld [smem:$0x3FDB];
	_ =	sdelay $0x1  }
0x99: {  	s4 =	simm.s32 $_scs_section_size  }
0x9a: {  	s5 =	simm.s32 $_size__tile_overlayer_lowered;
	s6 =	simm.s32 $_tile_overlayer_lowered  }
0x9b: {  	s22 =	simm.s32 $0x1BFF;
	s21 =	sshll.u32 s6, $0x1;
	s3 =	sadd.s32 s4, s19  }
0x9c: {  	s7 =	simm.s32 $0x0;
	s20 =	sshll.u32 s5, $0x1;
	s5 =	sadd.s32 s21, s3  }
0x9d: {  	[timem:s7], [sflag:s22] =	dma.local [hbm:s5], s20  }
0x9e: {  	_ =	swait.ge [sflag:s22], s20  }
0x9f: {  	s4 =	ssub.s32 $0x0, s20;
	[sflag:s22] =	ssyncset.done $0x0  }
0xa0: {  	[sflag:s22] =	ssyncadd.s32 s4;
	_ =	sdelay $0x1  }
0xa1: {  	s23 =	simm.s32 $0x1B8B  }
0xa2: {  	_ =	swait.ge [sflag:s23], $0x1  }
0xa3: {  	[sflag:s23] =	ssyncset.done $0x0  }
0xa4: {  	s25 =	simm.s32 $0x1B8E;
	s24 =	sld [smem:$0x3FFE];
	[sflag:s23] =	ssyncadd.s32 $0xFFFFFFFF  }
0xa5: {  	s26 =	simm.s32 $execute0_lowered;
	[smem:$0x3FD2] =	sst s25  }
0xa6: {  	s5 =	sshll.u32 s26, $0x1;
	_ =	strace $0x80000049;
	[dreg:$0x1] =	wrdreg $0xFFFFFFFF  }
0xa7: {  	s28 =	simm.s32 $_size_execute0_lowered;
	s3 =	sadd.s32 s3, s5;
	[dreg:$0x0] =	wrdreg $0x0  }
0xa8: {  	s5 =	sshll.u32 s28, $0x1;
	[dreg:$0x2] =	wrdreg s3  }
0xa9: {  	[dreg:$0x3] =	wrdreg s5  }
0xaa: {  	[dreg:$0x4] =	wrdreg $0xC0  }
0xab: {  	_ =	task [dreg:s7], $0x5FFFF  }
0xac: {  	[dreg:$0x1] =	wrdreg $0xFFFFFFFF  }
0xad: {  	[dreg:$0x0] =	wrdreg $0x60  }
0xae: {  	[dreg:$0x2] =	wrdreg s2  }
0xaf: {  	[dreg:$0x3] =	wrdreg s24  }
0xb0: {  	[dreg:$0x4] =	wrdreg $0x90000  }
0xb1: {  	[dreg:$0x5] =	wrdreg $0x9  }
0xb2: {  	_ =	task.clear_ibuf [dreg:s7], $0x6FFFF;
	_ =	strace $0x90000049  }
0xb3: {  	s29 =	simm.s32 $0x9;
	_ =	strace $0x8000004B  }
0xb4: {  	_ =	swait.ge [sflag:s29], $0x1  }
0xb5: {  	[sflag:s29] =	ssyncadd.s32 $0xFFFFFFFF  }
0xb6: {  	_ =	strace $0x9000004B  }
0xb7: {  	_ =	sfence  }
0xb8: {  	s30 =	sld [smem:$0x0];
	_ =	sdelay $0x2  }
0xb9: {  	s31 =	sshll.u32 s1, $0xD;
	s1 =	sshrl.u32 s1, $0x2  }
0xba: {  	s3 =	sand.u32 $0x4000, s31;
	s1 =	sadd.s32 s1, s30  }
0xbb: {  	s0 =	sor.u32 s3, s0;
	s1 =	sshll.u32 s1, $0x11  }
0xbc: {  	s0 =	sor.u32 s1, s0  }
0xbd: {  	s0 =	sadd.s32 $0x8F2B, s0  }
0xbe: {  	[sflag:s0] =	ssyncadd.remote.s32 $0x1  }
0xbf: {  	_ =	sfence.sel $0xFFFF  }
0xc0: {  	[dreg:$0x0] =	wrdreg $0xFFFFFFFF;
	(pc) =	sbr.abs _section_cstart, $3  }
0xc1: {  	[dreg:$0x1] =	wrdreg $0xFFFFFFFF  }
0xc2: {  	_ =	task.clear_ibuf [dreg:s7], $0x2FFFF;
	_ =	strace $0x9FFFFFFF  }
0xc3: {  	(tm) =	ssettm $0x7FFFFFFF  }
tec
execute0_lowered:
.L_overlay_start_1:
0x0: {  	(tag) =	ssettag $0x1  }
0x1: {  	s2 =	srdreg.scid;
	s1 =	rddreg [dreg:$0x0]  }
0x2: {  	s0 =	stileid.u32;
	s6 =	rddreg [dreg:$0x1]  }
0x3: {  	s3 =	rddreg [dreg:$0x2];
	s4 =	simm.s32 $0x0;
	s14 =	simm.s32 $0x5000  }
0x4: {  	s15 =	simm.s32 $0x1;
	s16 =	simm.s32 $0x2800;
	s17 =	simm.s32 $0x80  }
0x5: {  	s5 =	sand.u32 $0x1, s2;
	s26 =	sshll.u32 s0, $0x1;
	s9 =	smul.u32 $0x13C00, s0  }
0x6: {  	[smem:$0x7FF] =	sst s4;
	s10 =	smul.u32 $0x4F000, s0;
	s18 =	sshll.u32 s0, $0x6  }
0x7: {  	s2 =	sor.u32 s5, s26;
	s8 =	smul.u32 $0x13C000, s5;
	s5 =	ssub.s32 $0x2, s5  }
0x8: {  	s18 =	sor.u32 $0x1C01, s18;
	s7 =	smul.u32 $0x500, s2;
	s2 =	rddreg [dreg:$0x3]  }
0x9: {  	_ =	strace $0x8000004A;
	s29 =	sshrl.u32 s5, $0x1;
	s30 =	sshrl.u32 s10, $0x2  }
0xa: {  	s28 =	sadd.s32 s9, s8;
	s12 =	ssub.s32 s5, s29;
	s5 =	sadd.s32 s30, s3  }
0xb: {  	s11 =	sadd.s32 s7, s6;
	s7 =	sshrl.u32 s28, $0x3;
	s10 =	smax.u32 s12, $0x1  }
0xc: {  	s12 =	sadd.s32 $0x8000, s5;
	s13 =	sadd.s32 $0xC000, s5;
	s19 =	sshrl.u32 s5, $0x3  }
0xd: {  	s31 =	sadd.s32 s7, s6;
	s6 =	sadd.s32 $0x10000, s5;
	s7 =	sadd.s32 $0xC800, s11  }
0xe: {  	v0 =	vimm.f32 $0.0e+00;
	s8 =	sadd.s32 $0x2800, s11;
	s11 =	sadd.s32 $0x4000, s5;
	s9 =	sadd.s32 $0x16800, s31  }
.LBB2_1:
0xf: {  	s20 =	simm.s32 $0x0;
	s21 =	simm.s32 $0x200  }
.LBB2_2:
0x10: {  	p0 =	sne.s32 s21, $0xFE00;
	[tilespmem:s20+$0x5070] =	vst v0  }
0x11: {  	[tilespmem:s20+$0x5000] =	vst v0  }
0x12: {  	[tilespmem:s20+$0x5010] =	vst v0  }
.Ltmp0:
0x13: {  	[tilespmem:s20+$0x5020] =	vst v0;
	(pc) =	sbr.rel @p0 .LBB2_2-.Ltmp0, $4  }
0x14: {  	[tilespmem:s20+$0x5030] =	vst v0  }
0x15: {  	[tilespmem:s20+$0x5040] =	vst v0  }
0x16: {  	[tilespmem:s20+$0x5050] =	vst v0  }
0x17: {  	[tilespmem:s20+$0x5060] =	vst v0;
	s20 =	sshra.s32 s21, $0x2;
	s21 =	sadd.s32 $0x200, s21  }
0x18: {  	[tilespmem:s20+$0x5070] =	vst v0  }
0x19: {  	[tilespmem:s20+$0x5000] =	vst v0  }
0x1a: {  	[tilespmem:s20+$0x5010] =	vst v0  }
0x1b: {  	[tilespmem:s20+$0x5020] =	vst v0  }
0x1c: {  	[tilespmem:s20+$0x5030] =	vst v0  }
0x1d: {  	[tilespmem:s20+$0x5040] =	vst v0  }
0x1e: {  	[tilespmem:s20+$0x5050] =	vst v0  }
0x1f: {  	[tilespmem:s20+$0x5060] =	vst v0  }
0x20: {  	[spmem:s5] =	stream.linear.scatter [tilespmem:s14], [sflag:$0x1], $0x4000, $0x38;
	[tilespmem:$0x1CC00] =	vst v63  }
0x21: {  	_ =	swait.ge [sflag:s15], $0x4000  }
0x22: {  	[sflag:s15] =	ssyncset.done $0x0  }
0x23: {  	[sflag:s15] =	ssyncadd.s32 $0xFFFFC000  }
0x24: {  	[spmem:s11] =	stream.linear.scatter [tilespmem:s14], [sflag:$0x1], $0x4000, $0x38;
	[tilespmem:$0x1CC00] =	vst v63  }
0x25: {  	_ =	swait.ge [sflag:s15], $0x4000  }
0x26: {  	[sflag:s15] =	ssyncset.done $0x0  }
0x27: {  	[sflag:s15] =	ssyncadd.s32 $0xFFFFC000  }
0x28: {  	[spmem:s12] =	stream.linear.scatter [tilespmem:s14], [sflag:$0x1], $0x4000, $0x38;
	[tilespmem:$0x1CC00] =	vst v63  }
0x29: {  	_ =	swait.ge [sflag:s15], $0x4000  }
0x2a: {  	[sflag:s15] =	ssyncset.done $0x0  }
0x2b: {  	[sflag:s15] =	ssyncadd.s32 $0xFFFFC000  }
0x2c: {  	[spmem:s13] =	stream.linear.scatter [tilespmem:s14], [sflag:$0x1], $0x4000, $0x38;
	[tilespmem:$0x1CC00] =	vst v63  }
0x2d: {  	_ =	swait.ge [sflag:s15], $0x4000  }
0x2e: {  	[sflag:s15] =	ssyncset.done $0x0  }
0x2f: {  	[sflag:s15] =	ssyncadd.s32 $0xFFFFC000  }
0x30: {  	[spmem:s6] =	stream.linear.scatter [tilespmem:s14], [sflag:$0x1], $0x3C00, $0x38;
	[tilespmem:$0x1CC00] =	vst v63  }
0x31: {  	_ =	swait.ge [sflag:s15], $0x3C00  }
0x32: {  	[sflag:s15] =	ssyncset.done $0x0  }
0x33: {  	s29 =	simm.s32 $0x0;
	[sflag:s15] =	ssyncadd.s32 $0xFFFFC400  }
0x34: {  	[tilespmem:s29], [sflag:$0x1] =	stream.linear.gather [hbm4b:s7+s29], $0x2780, $0x38;
	[tilespmem:$0x1CC00] =	vst v63  }
0x35: {  	_ =	swait.ge [sflag:s15], $0x2780  }
0x36: {  	[sflag:s15] =	ssyncset.done $0x0  }
0x37: {  	[sflag:s15] =	ssyncadd.s32 $0xFFFFD880  }
0x38: {  	[tilespmem:s16], [sflag:$0x1] =	stream.linear.gather [hbm4b:s8+s29], $0x2780, $0x38;
	[tilespmem:$0x1CC00] =	vst v63  }
0x39: {  	_ =	swait.ge [sflag:s15], $0x2780  }
0x3a: {  	[sflag:s15] =	ssyncset.done $0x0  }
0x3b: {  	[sflag:s15] =	ssyncadd.s32 $0xFFFFD880  }
0x3c: {  	s30 =	simm.s32 $0x0;
	[bflag:$0x0] =	sbarrier.arrive $0xFFFF  }
0x3d: {  	[tilespmem:s14], [sflag:$0x1] =	stream.indirect.gather [hbm4b:s1+s17], $0x80, s30, s17, $0xb8;
	[tilespmem:$0x1CC00] =	vst v63  }
0x3e: {  	_ =	swait.ge [sflag:s15], $0x4000  }
0x3f: {  	[sflag:s15] =	ssyncset.done $0x0  }
0x40: {  	s31 =	simm.s32 $0x2800;
	[sflag:s15] =	ssyncadd.s32 $0xFFFFC000  }
0x41: {  	[spmem:s3] =	stream.indirect.scatter.add.f32 [tilespmem:s14], [sflag:$0x1], $0x80, s31, s17, $0xb8;
	[tilespmem:$0x1CC00] =	vst v63  }
0x42: {  	_ =	swait.ge [sflag:s15], $0x4000  }
0x43: {  	s20 =	simm.s32 $0x200;
	s21 =	simm.s32 $0x400;
	[sflag:s15] =	ssyncset.done $0x0  }
.LBB2_4:
0x44: {  	s22 =	sshra.s32 s20, $0x2  }
0x45: {  	[sflag:s15] =	ssyncadd.s32 $0xFFFFC000;
	s20 =	smov.u32 s21;
	s23 =	sadd.s32 $0x200, s21  }
0x46: {  	[tilespmem:s14], [sflag:$0x1] =	stream.indirect.gather [hbm4b:s1+s17], $0x80, s22, s17, $0xb8;
	[tilespmem:$0x1CC00] =	vst v63  }
0x47: {  	p0 =	sne.s32 s21, $0x9C00;
	_ =	swait.ge [sflag:s15], $0x4000  }
.Ltmp1:
0x48: {  	[sflag:s15] =	ssyncset.done $0x0;
	(pc) =	sbr.rel @p0 .LBB2_4-.Ltmp1, $4  }
0x49: {  	s21 =	sadd.s32 $0x2800, s22;
	[sflag:s15] =	ssyncadd.s32 $0xFFFFC000  }
0x4a: {  	[spmem:s3] =	stream.indirect.scatter.add.f32 [tilespmem:s14], [sflag:$0x1], $0x80, s21, s17, $0xb8;
	[tilespmem:$0x1CC00] =	vst v63  }
0x4b: {  	_ =	swait.ge [sflag:s15], $0x4000  }
0x4c: {  	s21 =	smov.u32 s23;
	[sflag:s15] =	ssyncset.done $0x0  }
0x4d: {  	s20 =	sshra.s32 s20, $0x2;
	[sflag:s15] =	ssyncadd.s32 $0xFFFFC000  }
0x4e: {  	[tilespmem:s14], [sflag:$0x1] =	stream.indirect.gather [hbm4b:s1+s17], $0x80, s20, s17, $0xb8;
	[tilespmem:$0x1CC00] =	vst v63  }
0x4f: {  	_ =	swait.ge [sflag:s15], $0x4000  }
0x50: {  	[sflag:s15] =	ssyncset.done $0x0  }
0x51: {  	s20 =	sadd.s32 $0x2800, s20;
	[sflag:s15] =	ssyncadd.s32 $0xFFFFC000  }
0x52: {  	[spmem:s3] =	stream.indirect.scatter.add.f32 [tilespmem:s14], [sflag:$0x1], $0x80, s20, s17, $0xb8;
	[tilespmem:$0x1CC00] =	vst v63  }
0x53: {  	_ =	swait.ge [sflag:s15], $0x4000  }
0x54: {  	s4 =	sadd.s32 $0x1, s4;
	[sflag:s15] =	ssyncset.done $0x0  }
0x55: {  	p0 =	sne.s32 s4, s10;
	[sflag:s15] =	ssyncadd.s32 $0xFFFFC000  }
.Ltmp2:
0x56: {  	[bflag:$0x0] =	sbarrier.arrive $0xFFFF;
	(pc) =	sbr.rel @p0 .LBB2_1-.Ltmp2, $4  }
0x57: {  	[hbm:s9], [sflag:s18] =	dma.local [spmem:s19], $0x2780  }
0x58: {  	_ =	swait.ge [sflag:s15], $0x2780  }
0x59: {  	[sflag:s15] =	ssyncset.done $0x0  }
0x5a: {  	[sflag:s15] =	ssyncadd.s32 $0xFFFFD880  }
0x5b: {  	_ =	sfence.sel $0x180000  }
0x5c: {  	[bflag:$0x0] =	sbarrier.arrive $0xFFFF  }
0x5d: {  	p0 =	sne.s32 s0, $0x0;
	_ =	strace $0x9000004A  }
0x5e: {  	s0 =	sadd.s32 @!p0 $0x100000, s2;
	[bflag:$0x2] =	sbarrier.arrive $0xFFFF  }
0x5f: {  	[sflag:s0] =	ssyncadd.tile.s32 @!p0 $0x1;
	_ =	shalt  }
.Lfunc_end2:
_tile_overlayer_lowered:
.L_overlay_start_2:
0x60: {  	(tag) =	ssettag $0x2  }
0x61: {  	s0 =	rddreg [dreg:$0x0];
	s2 =	stileid.u32  }
0x62: {  	s1 =	rddreg [dreg:$0x1];
	p0 =	sne.s32 s2, $0x0  }
0x63: {  	s3 =	rddreg [dreg:$0x2];
	[bflag:$0x3] =	sbarrier.arrive $0xFFFF;
	s2 =	simm.s32 @!p0 $0x1C01  }
0x64: {  	[timem:s3], [sflag:s2] =	dma.local @!p0 [hbm:s0], s1  }
0x65: {  	s0 =	simm.s32 @!p0 $0x1  }
0x66: {  	_ =	swait.ge @!p0 [sflag:s0], s1  }
0x67: {  	s1 =	ssub.s32 @!p0 $0x0, s1;
	[sflag:s0] =	ssyncset.done @!p0 $0x0  }
0x68: {  	[sflag:s0] =	ssyncadd.s32 @!p0 s1  }
0x69: {  	[bflag:$0x3] =	sbarrier.arrive $0xFFFF  }
0x6a: {  	_ =	shalt  }

// kernel: kernel.14.cloned.1.call-start
scs
__scs_entry_jumppad:
0x0: {  	(pc) =	sbr.rel $0x88, $3  }
0x1: {  	(tag) =	ssettag $0x0;
	lr =	simm.s32 $0x1  }
0x2: {  	[smem:$0x3F99] =	sst lr;
	_ =	strace $0xD0000000  }
0x3: {  	_ = 	snop  }
0x4: {  	_ = 	snop  }
0x5: {  	_ = 	snop  }
0x6: {  	_ = 	snop  }
0x7: {  	_ = 	snop  }
__scs_overlays_trampoline_lowered:
0x8: {  	[smem:$0x3FA8] =	sst s0  }
0x9: {  	[smem:$0x3FA9] =	sst s1  }
0xa: {  	[smem:$0x3FAA] =	sst s2  }
0xb: {  	[smem:$0x3FAB] =	sst s3  }
0xc: {  	[smem:$0x3FAC] =	sst s4  }
0xd: {  	[smem:$0x3FAD] =	sst s5  }
0xe: {  	[smem:$0x3FAE] =	sst s6  }
0xf: {  	[smem:$0x3FAF] =	sst s7  }
0x10: {  	[smem:$0x3FB0] =	sst s8  }
0x11: {  	[smem:$0x3FB1] =	sst s9;
	s0 =	simm.s32 @!p0 $0x0  }
0x12: {  	s1 =	sld [smem:$0x3F97];
	s0 =	simm.s32 @p0 $0x1  }
0x13: {  	[smem:$0x3FB2] =	sst s0;
	s0 =	simm.s32 @!p1 $0x0  }
0x14: {  	s2 =	sld [smem:$0x3F96];
	s0 =	simm.s32 @p1 $0x1  }
0x15: {  	[smem:$0x3FB3] =	sst s0;
	s0 =	simm.s32 @!p2 $0x0  }
0x16: {  	s3 =	sld [smem:$0x3FDB];
	s0 =	simm.s32 @p2 $0x1  }
0x17: {  	s4 =	simm.s32 $0x1BF5;
	[smem:$0x3FB5] =	sst s0  }
0x18: {  	s0 =	sld [smem:$0x3F98];
	_ =	swait.ge [sflag:s4], $0x0  }
0x19: {  	s7 =	sld [smem:$0x3F99]  }
0x1a: {  	s8 =	sadd.s32 $0xFFFFE003, lr  }
0x1b: {  	s9 =	sadd.s32 $0xFFFFFEF7, lr;
	s5 =	simm.s32 $0xFFFFFFFF;
	p2 =	slt.u32 s8, $0xFFFFF086  }
0x1c: {  	p1 =	slt.u32 s9, $0xF7A;
	s5 =	simm.s32 @!p2 $0x0  }
0x1d: {  	s5 =	simm.s32 @p1 $0x1;
	p0 =	seq.s32 s7, s2  }
0x1e: {  	s7 =	smul.u32 @!p0 $0xF7A, s2;
	p2 =	seq.s32 @!p0 s5, $0x0  }
0x1f: {  	s9 =	smul.u32 $0xF7A, s1;
	s8 =	simm.s32 @!p0 $0x1BF5;
	p2 =	por !p2, p0  }
0x20: {  	[sflag:s8] =	ssyncset.s32 @!p0 $0xFFFFF086;
	s6 =	sadd.s32 @!p0 s3, s7;
	s7 =	simm.s32 @!p0 $0x108  }
0x21: {  	s3 =	sadd.s32 s3, s9;
	s6 =	sadd.s32 @!p0 $0x88, s6;
	s7 =	simm.s32 @p2 $0x1082  }
0x22: {  	[simem:s7], [sflag:s8] =	dma.local @!p0 [hbm:s6], $0xF7A  }
0x23: {  	s9 =	sor.u32 $0xD0000000, s2;
	s6 =	simm.s32 $0x108;
	_ =	swait.ge @!p0 [sflag:s8], $0x0  }
0x24: {  	s3 =	sadd.s32 $0x88, s3;
	s6 =	simm.s32 @!p1 $0x1082;
	[sflag:s4] =	ssyncset.s32 $0xFFFFF086  }
0x25: {  	[simem:s6], [sflag:s4] =	dma.local [hbm:s3], $0xF7A  }
0x26: {  	[smem:$0x3F99] =	sst s1;
	(tag) =	ssettag s2;
	_ =	strace s9  }
0x27: {  	s1 =	sld [smem:$0x3FA9]  }
0x28: {  	s2 =	sld [smem:$0x3FAA]  }
0x29: {  	s4 =	sld [smem:$0x3FAC]  }
0x2a: {  	p0 =	seq.s32 s5, $0x0;
	s5 =	sld [smem:$0x3FAD]  }
0x2b: {  	s6 =	sld [smem:$0x3FAE]  }
0x2c: {  	s7 =	sld [smem:$0x3FAF]  }
0x2d: {  	s3 =	simm.s32 $0x108;
	s8 =	sld [smem:$0x3FB0]  }
0x2e: {  	s3 =	simm.s32 @!p0 $0x1082;
	s9 =	sld [smem:$0x3FB1]  }
0x2f: {  	lr =	sadd.s32 s0, s3;
	s0 =	sld [smem:$0x3FA8]  }
0x30: {  	s3 =	sld [smem:$0x3FAB]  }
0x31: {  	[smem:$0x3FB4] =	sst s10  }
0x32: {  	s10 =	sld [smem:$0x3FB2];
	_ =	sdelay $0x3  }
0x33: {  	p0 =	seq.s32 s10, $0x1;
	s10 =	sld [smem:$0x3FB4];
	_ =	sdelay $0x3  }
0x34: {  	[smem:$0x3FB4] =	sst s10  }
0x35: {  	s10 =	sld [smem:$0x3FB3];
	_ =	sdelay $0x3  }
0x36: {  	p1 =	seq.s32 s10, $0x1;
	s10 =	sld [smem:$0x3FB4];
	_ =	sdelay $0x3  }
0x37: {  	[smem:$0x3FB4] =	sst s10  }
0x38: {  	s10 =	sld [smem:$0x3FB5]  }
0x39: {  	_ = 	snop;
	(pc) =	sbr.ind lr, $3  }
0x3a: {  	_ = 	snop  }
0x3b: {  	_ = 	snop  }
0x3c: {  	p2 =	seq.s32 s10, $0x1;
	s10 =	sld [smem:$0x3FB4]  }
0x3d: {  	_ =	shalt  }
0x3e: {  	_ =	shalt  }
0x3f: {  	_ =	shalt  }
0x40: {  	_ =	shalt  }
0x41: {  	_ =	shalt  }
0x42: {  	_ =	shalt  }
0x43: {  	_ =	shalt  }
0x44: {  	_ =	shalt  }
0x45: {  	_ =	shalt  }
0x46: {  	_ =	shalt  }
0x47: {  	_ =	shalt  }
0x48: {  	_ =	shalt  }
0x49: {  	_ =	shalt  }
0x4a: {  	_ =	shalt  }
0x4b: {  	_ =	shalt  }
0x4c: {  	_ =	shalt  }
0x4d: {  	_ =	shalt  }
0x4e: {  	_ =	shalt  }
0x4f: {  	_ =	shalt  }
0x50: {  	_ =	shalt  }
0x51: {  	_ =	shalt  }
0x52: {  	_ =	shalt  }
0x53: {  	_ =	shalt  }
0x54: {  	_ =	shalt  }
0x55: {  	_ =	shalt  }
0x56: {  	_ =	shalt  }
0x57: {  	_ =	shalt  }
0x58: {  	_ =	shalt  }
0x59: {  	_ =	shalt  }
0x5a: {  	_ =	shalt  }
0x5b: {  	_ =	shalt  }
0x5c: {  	_ =	shalt  }
0x5d: {  	_ =	shalt  }
0x5e: {  	_ =	shalt  }
0x5f: {  	_ =	shalt  }
0x60: {  	_ =	shalt  }
0x61: {  	_ =	shalt  }
0x62: {  	_ =	shalt  }
0x63: {  	_ =	shalt  }
0x64: {  	_ =	shalt  }
0x65: {  	_ =	shalt  }
0x66: {  	_ =	shalt  }
0x67: {  	_ =	shalt  }
0x68: {  	_ =	shalt  }
0x69: {  	_ =	shalt  }
0x6a: {  	_ =	shalt  }
0x6b: {  	_ =	shalt  }
0x6c: {  	_ =	shalt  }
0x6d: {  	_ =	shalt  }
0x6e: {  	_ =	shalt  }
0x6f: {  	_ =	shalt  }
0x70: {  	_ =	shalt  }
0x71: {  	_ =	shalt  }
0x72: {  	_ =	shalt  }
0x73: {  	_ =	shalt  }
0x74: {  	_ =	shalt  }
0x75: {  	_ =	shalt  }
0x76: {  	_ =	shalt  }
0x77: {  	_ =	shalt  }
0x78: {  	_ =	shalt  }
0x79: {  	_ =	shalt  }
0x7a: {  	_ =	shalt  }
0x7b: {  	_ =	shalt  }
0x7c: {  	_ =	shalt  }
0x7d: {  	_ =	shalt  }
0x7e: {  	_ =	shalt  }
0x7f: {  	_ =	shalt  }
0x80: {  	_ =	shalt  }
0x81: {  	_ =	shalt  }
0x82: {  	_ =	shalt  }
0x83: {  	_ =	shalt  }
0x84: {  	_ =	shalt  }
0x85: {  	_ =	shalt  }
0x86: {  	_ =	shalt  }
0x87: {  	_ =	shalt  }
.Lfunc_end0:
.L_simem_size_0:
called_computation.2_lowered:
.L_overlay_start_0:
0x88: {  	s2 =	sld [smem:$0x3FD9]  }
0x89: {  	s3 =	sld [smem:$0x3FFE];
	_ =	sdelay $0x1  }
0x8a: {  	s1 =	srdreg.scid  }
0x8b: {  	s0 =	sand.u32 $0x1, s1  }
0x8c: {  	s17 =	sshll.u32 s0, $0xA;
	s2 =	sadd.s32 s3, s2  }
0x8d: {  	s2 =	sadd.s32 s2, s17  }
0x8e: {  	[smem:$0x3FC0] =	sst s2  }
0x8f: {  	_ = 	snop  }
0x90: {  	s2 =	sld [smem:$0x3FD0];
	(tm) =	ssettm $0x1  }
0x91: {  	s18 =	sld [smem:$0x3FFB];
	_ =	sdelay $0x3  }
0x92: {  	_ =	strace s18  }
0x93: {  	s3 =	sld [smem:$0x3FFC];
	_ =	sdelay $0x3  }
0x94: {  	_ =	strace s3  }
0x95: {  	s3 =	sld [smem:$0x3FFD];
	_ =	sdelay $0x3  }
0x96: {  	_ =	strace s3  }
0x97: {  	_ =	strace $0x8FFFFFFF  }
0x98: {  	s19 =	sld [smem:$0x3FDB];
	_ =	sdelay $0x1  }
0x99: {  	s4 =	simm.s32 $_scs_section_size  }
0x9a: {  	s5 =	simm.s32 $_size__tile_overlayer_lowered;
	s6 =	simm.s32 $_tile_overlayer_lowered  }
0x9b: {  	s22 =	simm.s32 $0x1BFF;
	s21 =	sshll.u32 s6, $0x1;
	s3 =	sadd.s32 s4, s19  }
0x9c: {  	s7 =	simm.s32 $0x0;
	s20 =	sshll.u32 s5, $0x1;
	s5 =	sadd.s32 s21, s3  }
0x9d: {  	[timem:s7], [sflag:s22] =	dma.local [hbm:s5], s20  }
0x9e: {  	_ =	swait.ge [sflag:s22], s20  }
0x9f: {  	s4 =	ssub.s32 $0x0, s20;
	[sflag:s22] =	ssyncset.done $0x0  }
0xa0: {  	[sflag:s22] =	ssyncadd.s32 s4;
	_ =	sdelay $0x1  }
0xa1: {  	s23 =	simm.s32 $0x1B8B  }
0xa2: {  	_ =	swait.ge [sflag:s23], $0x1  }
0xa3: {  	[sflag:s23] =	ssyncset.done $0x0  }
0xa4: {  	s25 =	simm.s32 $0x1B8E;
	s24 =	sld [smem:$0x3FFE];
	[sflag:s23] =	ssyncadd.s32 $0xFFFFFFFF  }
0xa5: {  	s26 =	simm.s32 $execute0_lowered;
	[smem:$0x3FD2] =	sst s25  }
0xa6: {  	s5 =	sshll.u32 s26, $0x1;
	_ =	strace $0x8000004C;
	[dreg:$0x1] =	wrdreg $0xFFFFFFFF  }
0xa7: {  	s28 =	simm.s32 $_size_execute0_lowered;
	s3 =	sadd.s32 s3, s5;
	[dreg:$0x0] =	wrdreg $0x0  }
0xa8: {  	s5 =	sshll.u32 s28, $0x1;
	[dreg:$0x2] =	wrdreg s3  }
0xa9: {  	[dreg:$0x3] =	wrdreg s5  }
0xaa: {  	[dreg:$0x4] =	wrdreg $0xC0  }
0xab: {  	_ =	task [dreg:s7], $0x5FFFF  }
0xac: {  	[dreg:$0x1] =	wrdreg $0xFFFFFFFF  }
0xad: {  	[dreg:$0x0] =	wrdreg $0x60  }
0xae: {  	[dreg:$0x2] =	wrdreg s2  }
0xaf: {  	[dreg:$0x3] =	wrdreg s24  }
0xb0: {  	[dreg:$0x4] =	wrdreg $0x90000  }
0xb1: {  	[dreg:$0x5] =	wrdreg $0x9  }
0xb2: {  	_ =	task.clear_ibuf [dreg:s7], $0x6FFFF;
	_ =	strace $0x9000004C  }
0xb3: {  	s29 =	simm.s32 $0x9;
	_ =	strace $0x8000004E  }
0xb4: {  	_ =	swait.ge [sflag:s29], $0x1  }
0xb5: {  	[sflag:s29] =	ssyncadd.s32 $0xFFFFFFFF  }
0xb6: {  	_ =	strace $0x9000004E  }
0xb7: {  	_ =	sfence  }
0xb8: {  	s30 =	sld [smem:$0x0];
	_ =	sdelay $0x2  }
0xb9: {  	s31 =	sshll.u32 s1, $0xD;
	s1 =	sshrl.u32 s1, $0x2  }
0xba: {  	s3 =	sand.u32 $0x4000, s31;
	s1 =	sadd.s32 s1, s30  }
0xbb: {  	s0 =	sor.u32 s3, s0;
	s1 =	sshll.u32 s1, $0x11  }
0xbc: {  	s0 =	sor.u32 s1, s0  }
0xbd: {  	s0 =	sadd.s32 $0x8F2B, s0  }
0xbe: {  	[sflag:s0] =	ssyncadd.remote.s32 $0x1  }
0xbf: {  	_ =	sfence.sel $0xFFFF  }
0xc0: {  	[dreg:$0x0] =	wrdreg $0xFFFFFFFF;
	(pc) =	sbr.abs _section_cstart, $3  }
0xc1: {  	[dreg:$0x1] =	wrdreg $0xFFFFFFFF  }
0xc2: {  	_ =	task.clear_ibuf [dreg:s7], $0x2FFFF;
	_ =	strace $0x9FFFFFFF  }
0xc3: {  	(tm) =	ssettm $0x7FFFFFFF  }
tec
execute0_lowered:
.L_overlay_start_1:
0x0: {  	(tag) =	ssettag $0x1  }
0x1: {  	s2 =	srdreg.scid;
	s1 =	rddreg [dreg:$0x0]  }
0x2: {  	s0 =	stileid.u32;
	s6 =	rddreg [dreg:$0x1]  }
0x3: {  	s3 =	rddreg [dreg:$0x2];
	s4 =	simm.s32 $0x0;
	s14 =	simm.s32 $0x5000  }
0x4: {  	s15 =	simm.s32 $0x1;
	s16 =	simm.s32 $0x2800;
	s17 =	simm.s32 $0x80  }
0x5: {  	s5 =	sand.u32 $0x1, s2;
	s26 =	sshll.u32 s0, $0x1;
	s9 =	smul.u32 $0x13C00, s0  }
0x6: {  	[smem:$0x7FF] =	sst s4;
	s10 =	smul.u32 $0x4F000, s0;
	s18 =	sshll.u32 s0, $0x6  }
0x7: {  	s2 =	sor.u32 s5, s26;
	s8 =	smul.u32 $0x13C000, s5;
	s5 =	ssub.s32 $0x2, s5  }
0x8: {  	s18 =	sor.u32 $0x1C01, s18;
	s7 =	smul.u32 $0x500, s2;
	s2 =	rddreg [dreg:$0x3]  }
0x9: {  	_ =	strace $0x8000004D;
	s29 =	sshrl.u32 s5, $0x1;
	s30 =	sshrl.u32 s10, $0x2  }
0xa: {  	s28 =	sadd.s32 s9, s8;
	s12 =	ssub.s32 s5, s29;
	s5 =	sadd.s32 s30, s3  }
0xb: {  	s11 =	sadd.s32 s7, s6;
	s7 =	sshrl.u32 s28, $0x3;
	s10 =	smax.u32 s12, $0x1  }
0xc: {  	s12 =	sadd.s32 $0x8000, s5;
	s13 =	sadd.s32 $0xC000, s5;
	s19 =	sshrl.u32 s5, $0x3  }
0xd: {  	s31 =	sadd.s32 s7, s6;
	s6 =	sadd.s32 $0x10000, s5;
	s7 =	sadd.s32 $0xC800, s11  }
0xe: {  	v0 =	vimm.f32 $0.0e+00;
	s8 =	sadd.s32 $0x2800, s11;
	s11 =	sadd.s32 $0x4000, s5;
	s9 =	sadd.s32 $0x16800, s31  }
.LBB2_1:
0xf: {  	s20 =	simm.s32 $0x0;
	s21 =	simm.s32 $0x200  }
.LBB2_2:
0x10: {  	p0 =	sne.s32 s21, $0xFE00;
	[tilespmem:s20+$0x5070] =	vst v0  }
0x11: {  	[tilespmem:s20+$0x5000] =	vst v0  }
0x12: {  	[tilespmem:s20+$0x5010] =	vst v0  }
.Ltmp0:
0x13: {  	[tilespmem:s20+$0x5020] =	vst v0;
	(pc) =	sbr.rel @p0 .LBB2_2-.Ltmp0, $4  }
0x14: {  	[tilespmem:s20+$0x5030] =	vst v0  }
0x15: {  	[tilespmem:s20+$0x5040] =	vst v0  }
0x16: {  	[tilespmem:s20+$0x5050] =	vst v0  }
0x17: {  	[tilespmem:s20+$0x5060] =	vst v0;
	s20 =	sshra.s32 s21, $0x2;
	s21 =	sadd.s32 $0x200, s21  }
0x18: {  	[tilespmem:s20+$0x5070] =	vst v0  }
0x19: {  	[tilespmem:s20+$0x5000] =	vst v0  }
0x1a: {  	[tilespmem:s20+$0x5010] =	vst v0  }
0x1b: {  	[tilespmem:s20+$0x5020] =	vst v0  }
0x1c: {  	[tilespmem:s20+$0x5030] =	vst v0  }
0x1d: {  	[tilespmem:s20+$0x5040] =	vst v0  }
0x1e: {  	[tilespmem:s20+$0x5050] =	vst v0  }
0x1f: {  	[tilespmem:s20+$0x5060] =	vst v0  }
0x20: {  	[spmem:s5] =	stream.linear.scatter [tilespmem:s14], [sflag:$0x1], $0x4000, $0x38;
	[tilespmem:$0x1CC00] =	vst v63  }
0x21: {  	_ =	swait.ge [sflag:s15], $0x4000  }
0x22: {  	[sflag:s15] =	ssyncset.done $0x0  }
0x23: {  	[sflag:s15] =	ssyncadd.s32 $0xFFFFC000  }
0x24: {  	[spmem:s11] =	stream.linear.scatter [tilespmem:s14], [sflag:$0x1], $0x4000, $0x38;
	[tilespmem:$0x1CC00] =	vst v63  }
0x25: {  	_ =	swait.ge [sflag:s15], $0x4000  }
0x26: {  	[sflag:s15] =	ssyncset.done $0x0  }
0x27: {  	[sflag:s15] =	ssyncadd.s32 $0xFFFFC000  }
0x28: {  	[spmem:s12] =	stream.linear.scatter [tilespmem:s14], [sflag:$0x1], $0x4000, $0x38;
	[tilespmem:$0x1CC00] =	vst v63  }
0x29: {  	_ =	swait.ge [sflag:s15], $0x4000  }
0x2a: {  	[sflag:s15] =	ssyncset.done $0x0  }
0x2b: {  	[sflag:s15] =	ssyncadd.s32 $0xFFFFC000  }
0x2c: {  	[spmem:s13] =	stream.linear.scatter [tilespmem:s14], [sflag:$0x1], $0x4000, $0x38;
	[tilespmem:$0x1CC00] =	vst v63  }
0x2d: {  	_ =	swait.ge [sflag:s15], $0x4000  }
0x2e: {  	[sflag:s15] =	ssyncset.done $0x0  }
0x2f: {  	[sflag:s15] =	ssyncadd.s32 $0xFFFFC000  }
0x30: {  	[spmem:s6] =	stream.linear.scatter [tilespmem:s14], [sflag:$0x1], $0x3C00, $0x38;
	[tilespmem:$0x1CC00] =	vst v63  }
0x31: {  	_ =	swait.ge [sflag:s15], $0x3C00  }
0x32: {  	[sflag:s15] =	ssyncset.done $0x0  }
0x33: {  	s29 =	simm.s32 $0x0;
	[sflag:s15] =	ssyncadd.s32 $0xFFFFC400  }
0x34: {  	[tilespmem:s29], [sflag:$0x1] =	stream.linear.gather [hbm4b:s7+s29], $0x2780, $0x38;
	[tilespmem:$0x1CC00] =	vst v63  }
0x35: {  	_ =	swait.ge [sflag:s15], $0x2780  }
0x36: {  	[sflag:s15] =	ssyncset.done $0x0  }
0x37: {  	[sflag:s15] =	ssyncadd.s32 $0xFFFFD880  }
0x38: {  	[tilespmem:s16], [sflag:$0x1] =	stream.linear.gather [hbm4b:s8+s29], $0x2780, $0x38;
	[tilespmem:$0x1CC00] =	vst v63  }
0x39: {  	_ =	swait.ge [sflag:s15], $0x2780  }
0x3a: {  	[sflag:s15] =	ssyncset.done $0x0  }
0x3b: {  	[sflag:s15] =	ssyncadd.s32 $0xFFFFD880  }
0x3c: {  	s30 =	simm.s32 $0x0;
	[bflag:$0x0] =	sbarrier.arrive $0xFFFF  }
0x3d: {  	[tilespmem:s14], [sflag:$0x1] =	stream.indirect.gather [hbm4b:s1+s17], $0x80, s30, s17, $0xb8;
	[tilespmem:$0x1CC00] =	vst v63  }
0x3e: {  	_ =	swait.ge [sflag:s15], $0x4000  }
0x3f: {  	[sflag:s15] =	ssyncset.done $0x0  }
0x40: {  	s31 =	simm.s32 $0x2800;
	[sflag:s15] =	ssyncadd.s32 $0xFFFFC000  }
0x41: {  	[spmem:s3] =	stream.indirect.scatter.add.f32 [tilespmem:s14], [sflag:$0x1], $0x80, s31, s17, $0xb8;
	[tilespmem:$0x1CC00] =	vst v63  }
0x42: {  	_ =	swait.ge [sflag:s15], $0x4000  }
0x43: {  	s20 =	simm.s32 $0x200;
	s21 =	simm.s32 $0x400;
	[sflag:s15] =	ssyncset.done $0x0  }
.LBB2_4:
0x44: {  	s22 =	sshra.s32 s20, $0x2  }
0x45: {  	[sflag:s15] =	ssyncadd.s32 $0xFFFFC000;
	s20 =	smov.u32 s21;
	s23 =	sadd.s32 $0x200, s21  }
0x46: {  	[tilespmem:s14], [sflag:$0x1] =	stream.indirect.gather [hbm4b:s1+s17], $0x80, s22, s17, $0xb8;
	[tilespmem:$0x1CC00] =	vst v63  }
0x47: {  	p0 =	sne.s32 s21, $0x9C00;
	_ =	swait.ge [sflag:s15], $0x4000  }
.Ltmp1:
0x48: {  	[sflag:s15] =	ssyncset.done $0x0;
	(pc) =	sbr.rel @p0 .LBB2_4-.Ltmp1, $4  }
0x49: {  	s21 =	sadd.s32 $0x2800, s22;
	[sflag:s15] =	ssyncadd.s32 $0xFFFFC000  }
0x4a: {  	[spmem:s3] =	stream.indirect.scatter.add.f32 [tilespmem:s14], [sflag:$0x1], $0x80, s21, s17, $0xb8;
	[tilespmem:$0x1CC00] =	vst v63  }
0x4b: {  	_ =	swait.ge [sflag:s15], $0x4000  }
0x4c: {  	s21 =	smov.u32 s23;
	[sflag:s15] =	ssyncset.done $0x0  }
0x4d: {  	s20 =	sshra.s32 s20, $0x2;
	[sflag:s15] =	ssyncadd.s32 $0xFFFFC000  }
0x4e: {  	[tilespmem:s14], [sflag:$0x1] =	stream.indirect.gather [hbm4b:s1+s17], $0x80, s20, s17, $0xb8;
	[tilespmem:$0x1CC00] =	vst v63  }
0x4f: {  	_ =	swait.ge [sflag:s15], $0x4000  }
0x50: {  	[sflag:s15] =	ssyncset.done $0x0  }
0x51: {  	s20 =	sadd.s32 $0x2800, s20;
	[sflag:s15] =	ssyncadd.s32 $0xFFFFC000  }
0x52: {  	[spmem:s3] =	stream.indirect.scatter.add.f32 [tilespmem:s14], [sflag:$0x1], $0x80, s20, s17, $0xb8;
	[tilespmem:$0x1CC00] =	vst v63  }
0x53: {  	_ =	swait.ge [sflag:s15], $0x4000  }
0x54: {  	s4 =	sadd.s32 $0x1, s4;
	[sflag:s15] =	ssyncset.done $0x0  }
0x55: {  	p0 =	sne.s32 s4, s10;
	[sflag:s15] =	ssyncadd.s32 $0xFFFFC000  }
.Ltmp2:
0x56: {  	[bflag:$0x0] =	sbarrier.arrive $0xFFFF;
	(pc) =	sbr.rel @p0 .LBB2_1-.Ltmp2, $4  }
0x57: {  	[hbm:s9], [sflag:s18] =	dma.local [spmem:s19], $0x2780  }
0x58: {  	_ =	swait.ge [sflag:s15], $0x2780  }
0x59: {  	[sflag:s15] =	ssyncset.done $0x0  }
0x5a: {  	[sflag:s15] =	ssyncadd.s32 $0xFFFFD880  }
0x5b: {  	_ =	sfence.sel $0x180000  }
0x5c: {  	[bflag:$0x0] =	sbarrier.arrive $0xFFFF  }
0x5d: {  	p0 =	sne.s32 s0, $0x0;
	_ =	strace $0x9000004D  }
0x5e: {  	s0 =	sadd.s32 @!p0 $0x100000, s2;
	[bflag:$0x2] =	sbarrier.arrive $0xFFFF  }
0x5f: {  	[sflag:s0] =	ssyncadd.tile.s32 @!p0 $0x1;
	_ =	shalt  }
.Lfunc_end2:
_tile_overlayer_lowered:
.L_overlay_start_2:
0x60: {  	(tag) =	ssettag $0x2  }
0x61: {  	s0 =	rddreg [dreg:$0x0];
	s2 =	stileid.u32  }
0x62: {  	s1 =	rddreg [dreg:$0x1];
	p0 =	sne.s32 s2, $0x0  }
0x63: {  	s3 =	rddreg [dreg:$0x2];
	[bflag:$0x3] =	sbarrier.arrive $0xFFFF;
	s2 =	simm.s32 @!p0 $0x1C01  }
0x64: {  	[timem:s3], [sflag:s2] =	dma.local @!p0 [hbm:s0], s1  }
0x65: {  	s0 =	simm.s32 @!p0 $0x1  }
0x66: {  	_ =	swait.ge @!p0 [sflag:s0], s1  }
0x67: {  	s1 =	ssub.s32 @!p0 $0x0, s1;
	[sflag:s0] =	ssyncset.done @!p0 $0x0  }
0x68: {  	[sflag:s0] =	ssyncadd.s32 @!p0 s1  }
0x69: {  	[bflag:$0x3] =	sbarrier.arrive $0xFFFF  }
0x6a: {  	_ =	shalt  }

// kernel: kernel.8.cloned.1.call-start
scs
__scs_entry_jumppad:
0x0: {  	(pc) =	sbr.rel $0x88, $3  }
0x1: {  	(tag) =	ssettag $0x0;
	lr =	simm.s32 $0x1  }
0x2: {  	[smem:$0x3F99] =	sst lr;
	_ =	strace $0xD0000000  }
0x3: {  	_ = 	snop  }
0x4: {  	_ = 	snop  }
0x5: {  	_ = 	snop  }
0x6: {  	_ = 	snop  }
0x7: {  	_ = 	snop  }
__scs_overlays_trampoline_lowered:
0x8: {  	[smem:$0x3FA8] =	sst s0  }
0x9: {  	[smem:$0x3FA9] =	sst s1  }
0xa: {  	[smem:$0x3FAA] =	sst s2  }
0xb: {  	[smem:$0x3FAB] =	sst s3  }
0xc: {  	[smem:$0x3FAC] =	sst s4  }
0xd: {  	[smem:$0x3FAD] =	sst s5  }
0xe: {  	[smem:$0x3FAE] =	sst s6  }
0xf: {  	[smem:$0x3FAF] =	sst s7  }
0x10: {  	[smem:$0x3FB0] =	sst s8  }
0x11: {  	[smem:$0x3FB1] =	sst s9;
	s0 =	simm.s32 @!p0 $0x0  }
0x12: {  	s1 =	sld [smem:$0x3F97];
	s0 =	simm.s32 @p0 $0x1  }
0x13: {  	[smem:$0x3FB2] =	sst s0;
	s0 =	simm.s32 @!p1 $0x0  }
0x14: {  	s2 =	sld [smem:$0x3F96];
	s0 =	simm.s32 @p1 $0x1  }
0x15: {  	[smem:$0x3FB3] =	sst s0;
	s0 =	simm.s32 @!p2 $0x0  }
0x16: {  	s3 =	sld [smem:$0x3FDB];
	s0 =	simm.s32 @p2 $0x1  }
0x17: {  	s4 =	simm.s32 $0x1BF5;
	[smem:$0x3FB5] =	sst s0  }
0x18: {  	s0 =	sld [smem:$0x3F98];
	_ =	swait.ge [sflag:s4], $0x0  }
0x19: {  	s7 =	sld [smem:$0x3F99]  }
0x1a: {  	s8 =	sadd.s32 $0xFFFFE003, lr  }
0x1b: {  	s9 =	sadd.s32 $0xFFFFFEF7, lr;
	s5 =	simm.s32 $0xFFFFFFFF;
	p2 =	slt.u32 s8, $0xFFFFF086  }
0x1c: {  	p1 =	slt.u32 s9, $0xF7A;
	s5 =	simm.s32 @!p2 $0x0  }
0x1d: {  	s5 =	simm.s32 @p1 $0x1;
	p0 =	seq.s32 s7, s2  }
0x1e: {  	s7 =	smul.u32 @!p0 $0xF7A, s2;
	p2 =	seq.s32 @!p0 s5, $0x0  }
0x1f: {  	s9 =	smul.u32 $0xF7A, s1;
	s8 =	simm.s32 @!p0 $0x1BF5;
	p2 =	por !p2, p0  }
0x20: {  	[sflag:s8] =	ssyncset.s32 @!p0 $0xFFFFF086;
	s6 =	sadd.s32 @!p0 s3, s7;
	s7 =	simm.s32 @!p0 $0x108  }
0x21: {  	s3 =	sadd.s32 s3, s9;
	s6 =	sadd.s32 @!p0 $0x88, s6;
	s7 =	simm.s32 @p2 $0x1082  }
0x22: {  	[simem:s7], [sflag:s8] =	dma.local @!p0 [hbm:s6], $0xF7A  }
0x23: {  	s9 =	sor.u32 $0xD0000000, s2;
	s6 =	simm.s32 $0x108;
	_ =	swait.ge @!p0 [sflag:s8], $0x0  }
0x24: {  	s3 =	sadd.s32 $0x88, s3;
	s6 =	simm.s32 @!p1 $0x1082;
	[sflag:s4] =	ssyncset.s32 $0xFFFFF086  }
0x25: {  	[simem:s6], [sflag:s4] =	dma.local [hbm:s3], $0xF7A  }
0x26: {  	[smem:$0x3F99] =	sst s1;
	(tag) =	ssettag s2;
	_ =	strace s9  }
0x27: {  	s1 =	sld [smem:$0x3FA9]  }
0x28: {  	s2 =	sld [smem:$0x3FAA]  }
0x29: {  	s4 =	sld [smem:$0x3FAC]  }
0x2a: {  	p0 =	seq.s32 s5, $0x0;
	s5 =	sld [smem:$0x3FAD]  }
0x2b: {  	s6 =	sld [smem:$0x3FAE]  }
0x2c: {  	s7 =	sld [smem:$0x3FAF]  }
0x2d: {  	s3 =	simm.s32 $0x108;
	s8 =	sld [smem:$0x3FB0]  }
0x2e: {  	s3 =	simm.s32 @!p0 $0x1082;
	s9 =	sld [smem:$0x3FB1]  }
0x2f: {  	lr =	sadd.s32 s0, s3;
	s0 =	sld [smem:$0x3FA8]  }
0x30: {  	s3 =	sld [smem:$0x3FAB]  }
0x31: {  	[smem:$0x3FB4] =	sst s10  }
0x32: {  	s10 =	sld [smem:$0x3FB2];
	_ =	sdelay $0x3  }
0x33: {  	p0 =	seq.s32 s10, $0x1;
	s10 =	sld [smem:$0x3FB4];
	_ =	sdelay $0x3  }
0x34: {  	[smem:$0x3FB4] =	sst s10  }
0x35: {  	s10 =	sld [smem:$0x3FB3];
	_ =	sdelay $0x3  }
0x36: {  	p1 =	seq.s32 s10, $0x1;
	s10 =	sld [smem:$0x3FB4];
	_ =	sdelay $0x3  }
0x37: {  	[smem:$0x3FB4] =	sst s10  }
0x38: {  	s10 =	sld [smem:$0x3FB5]  }
0x39: {  	_ = 	snop;
	(pc) =	sbr.ind lr, $3  }
0x3a: {  	_ = 	snop  }
0x3b: {  	_ = 	snop  }
0x3c: {  	p2 =	seq.s32 s10, $0x1;
	s10 =	sld [smem:$0x3FB4]  }
0x3d: {  	_ =	shalt  }
0x3e: {  	_ =	shalt  }
0x3f: {  	_ =	shalt  }
0x40: {  	_ =	shalt  }
0x41: {  	_ =	shalt  }
0x42: {  	_ =	shalt  }
0x43: {  	_ =	shalt  }
0x44: {  	_ =	shalt  }
0x45: {  	_ =	shalt  }
0x46: {  	_ =	shalt  }
0x47: {  	_ =	shalt  }
0x48: {  	_ =	shalt  }
0x49: {  	_ =	shalt  }
0x4a: {  	_ =	shalt  }
0x4b: {  	_ =	shalt  }
0x4c: {  	_ =	shalt  }
0x4d: {  	_ =	shalt  }
0x4e: {  	_ =	shalt  }
0x4f: {  	_ =	shalt  }
0x50: {  	_ =	shalt  }
0x51: {  	_ =	shalt  }
0x52: {  	_ =	shalt  }
0x53: {  	_ =	shalt  }
0x54: {  	_ =	shalt  }
0x55: {  	_ =	shalt  }
0x56: {  	_ =	shalt  }
0x57: {  	_ =	shalt  }
0x58: {  	_ =	shalt  }
0x59: {  	_ =	shalt  }
0x5a: {  	_ =	shalt  }
0x5b: {  	_ =	shalt  }
0x5c: {  	_ =	shalt  }
0x5d: {  	_ =	shalt  }
0x5e: {  	_ =	shalt  }
0x5f: {  	_ =	shalt  }
0x60: {  	_ =	shalt  }
0x61: {  	_ =	shalt  }
0x62: {  	_ =	shalt  }
0x63: {  	_ =	shalt  }
0x64: {  	_ =	shalt  }
0x65: {  	_ =	shalt  }
0x66: {  	_ =	shalt  }
0x67: {  	_ =	shalt  }
0x68: {  	_ =	shalt  }
0x69: {  	_ =	shalt  }
0x6a: {  	_ =	shalt  }
0x6b: {  	_ =	shalt  }
0x6c: {  	_ =	shalt  }
0x6d: {  	_ =	shalt  }
0x6e: {  	_ =	shalt  }
0x6f: {  	_ =	shalt  }
0x70: {  	_ =	shalt  }
0x71: {  	_ =	shalt  }
0x72: {  	_ =	shalt  }
0x73: {  	_ =	shalt  }
0x74: {  	_ =	shalt  }
0x75: {  	_ =	shalt  }
0x76: {  	_ =	shalt  }
0x77: {  	_ =	shalt  }
0x78: {  	_ =	shalt  }
0x79: {  	_ =	shalt  }
0x7a: {  	_ =	shalt  }
0x7b: {  	_ =	shalt  }
0x7c: {  	_ =	shalt  }
0x7d: {  	_ =	shalt  }
0x7e: {  	_ =	shalt  }
0x7f: {  	_ =	shalt  }
0x80: {  	_ =	shalt  }
0x81: {  	_ =	shalt  }
0x82: {  	_ =	shalt  }
0x83: {  	_ =	shalt  }
0x84: {  	_ =	shalt  }
0x85: {  	_ =	shalt  }
0x86: {  	_ =	shalt  }
0x87: {  	_ =	shalt  }
.Lfunc_end0:
.L_simem_size_0:
called_computation_lowered:
.L_overlay_start_0:
0x88: {  	s2 =	sld [smem:$0x3FD9]  }
0x89: {  	s3 =	sld [smem:$0x3FFE];
	_ =	sdelay $0x1  }
0x8a: {  	s1 =	srdreg.scid  }
0x8b: {  	s0 =	sand.u32 $0x1, s1  }
0x8c: {  	s17 =	sshll.u32 s0, $0xA;
	s2 =	sadd.s32 s3, s2  }
0x8d: {  	s2 =	sadd.s32 s2, s17  }
0x8e: {  	[smem:$0x3FC0] =	sst s2  }
0x8f: {  	_ = 	snop  }
0x90: {  	s2 =	sld [smem:$0x3FD0];
	(tm) =	ssettm $0x1  }
0x91: {  	s18 =	sld [smem:$0x3FFB];
	_ =	sdelay $0x3  }
0x92: {  	_ =	strace s18  }
0x93: {  	s3 =	sld [smem:$0x3FFC];
	_ =	sdelay $0x3  }
0x94: {  	_ =	strace s3  }
0x95: {  	s3 =	sld [smem:$0x3FFD];
	_ =	sdelay $0x3  }
0x96: {  	_ =	strace s3  }
0x97: {  	_ =	strace $0x8FFFFFFF  }
0x98: {  	s19 =	sld [smem:$0x3FDB];
	_ =	sdelay $0x1  }
0x99: {  	s4 =	simm.s32 $_scs_section_size  }
0x9a: {  	s5 =	simm.s32 $_size__tile_overlayer_lowered;
	s6 =	simm.s32 $_tile_overlayer_lowered  }
0x9b: {  	s22 =	simm.s32 $0x1BFF;
	s21 =	sshll.u32 s6, $0x1;
	s3 =	sadd.s32 s4, s19  }
0x9c: {  	s7 =	simm.s32 $0x0;
	s20 =	sshll.u32 s5, $0x1;
	s5 =	sadd.s32 s21, s3  }
0x9d: {  	[timem:s7], [sflag:s22] =	dma.local [hbm:s5], s20  }
0x9e: {  	_ =	swait.ge [sflag:s22], s20  }
0x9f: {  	s4 =	ssub.s32 $0x0, s20;
	[sflag:s22] =	ssyncset.done $0x0  }
0xa0: {  	[sflag:s22] =	ssyncadd.s32 s4;
	_ =	sdelay $0x1  }
0xa1: {  	s23 =	simm.s32 $0x1B8B  }
0xa2: {  	_ =	swait.ge [sflag:s23], $0x1  }
0xa3: {  	[sflag:s23] =	ssyncset.done $0x0  }
0xa4: {  	s25 =	simm.s32 $0x1B8E;
	s24 =	sld [smem:$0x3FFE];
	[sflag:s23] =	ssyncadd.s32 $0xFFFFFFFF  }
0xa5: {  	s26 =	simm.s32 $execute0_lowered;
	[smem:$0x3FD2] =	sst s25  }
0xa6: {  	s5 =	sshll.u32 s26, $0x1;
	_ =	strace $0x80000046;
	[dreg:$0x1] =	wrdreg $0xFFFFFFFF  }
0xa7: {  	s28 =	simm.s32 $_size_execute0_lowered;
	s3 =	sadd.s32 s3, s5;
	[dreg:$0x0] =	wrdreg $0x0  }
0xa8: {  	s5 =	sshll.u32 s28, $0x1;
	[dreg:$0x2] =	wrdreg s3  }
0xa9: {  	[dreg:$0x3] =	wrdreg s5  }
0xaa: {  	[dreg:$0x4] =	wrdreg $0xC0  }
0xab: {  	_ =	task [dreg:s7], $0x5FFFF  }
0xac: {  	[dreg:$0x1] =	wrdreg $0xFFFFFFFF  }
0xad: {  	[dreg:$0x0] =	wrdreg $0x60  }
0xae: {  	[dreg:$0x2] =	wrdreg s24  }
0xaf: {  	[dreg:$0x3] =	wrdreg s2  }
0xb0: {  	[dreg:$0x4] =	wrdreg $0x28800  }
0xb1: {  	[dreg:$0x5] =	wrdreg $0x9  }
0xb2: {  	_ =	task.clear_ibuf [dreg:s7], $0x6FFFF;
	_ =	strace $0x90000046  }
0xb3: {  	s29 =	simm.s32 $0x9;
	_ =	strace $0x80000048  }
0xb4: {  	_ =	swait.ge [sflag:s29], $0x1  }
0xb5: {  	[sflag:s29] =	ssyncadd.s32 $0xFFFFFFFF  }
0xb6: {  	_ =	strace $0x90000048  }
0xb7: {  	_ =	sfence  }
0xb8: {  	s30 =	sld [smem:$0x0];
	_ =	sdelay $0x2  }
0xb9: {  	s31 =	sshll.u32 s1, $0xD;
	s1 =	sshrl.u32 s1, $0x2  }
0xba: {  	s3 =	sand.u32 $0x4000, s31;
	s1 =	sadd.s32 s1, s30  }
0xbb: {  	s0 =	sor.u32 s3, s0;
	s1 =	sshll.u32 s1, $0x11  }
0xbc: {  	s0 =	sor.u32 s1, s0  }
0xbd: {  	s0 =	sadd.s32 $0x8F2B, s0  }
0xbe: {  	[sflag:s0] =	ssyncadd.remote.s32 $0x1  }
0xbf: {  	_ =	sfence.sel $0xFFFF  }
0xc0: {  	[dreg:$0x0] =	wrdreg $0xFFFFFFFF;
	(pc) =	sbr.abs _section_cstart, $3  }
0xc1: {  	[dreg:$0x1] =	wrdreg $0xFFFFFFFF  }
0xc2: {  	_ =	task.clear_ibuf [dreg:s7], $0x2FFFF;
	_ =	strace $0x9FFFFFFF  }
0xc3: {  	(tm) =	ssettm $0x7FFFFFFF  }
tec
execute0_lowered:
.L_overlay_start_1:
0x0: {  	(tag) =	ssettag $0x1  }
0x1: {  	s3 =	rddreg [dreg:$0x0]  }
0x2: {  	s6 =	rddreg [dreg:$0x1]  }
0x3: {  	s1 =	rddreg [dreg:$0x2];
	s2 =	srdreg.scid  }
0x4: {  	s13 =	stileid.u32;
	s0 =	rddreg [dreg:$0x3];
	s11 =	simm.s32 $0x2800  }
0x5: {  	s12 =	simm.s32 $0x1;
	s15 =	simm.s32 $0x0;
	s5 =	sand.u32 $0x1, s2  }
0x6: {  	s4 =	sshll.u32 s13, $0x1;
	s2 =	simm.s32 $0x0;
	s7 =	smul.u32 $0x9E0, s13  }
0x7: {  	p0 =	sne.s32 s13, $0x0;
	s13 =	simm.s32 $0x80;
	s4 =	sor.u32 s5, s4  }
0x8: {  	[smem:$0x7FF] =	sst s2;
	s8 =	ssub.s32 $0x2, s5;
	s31 =	sshll.u32 s5, $0x4  }
0x9: {  	s14 =	sshrl.u32 @!p0 s1, $0x3;
	s4 =	smul.u32 $0x500, s4;
	_ =	strace $0x80000047  }
0xa: {  	s7 =	sshrl.u32 s7, $0x2;
	s29 =	sshrl.u32 s8, $0x1;
	s6 =	sadd.s32 s6, s31  }
0xb: {  	s30 =	ssub.s32 s8, s29;
	s9 =	sadd.s32 s4, s3;
	s3 =	sadd.s32 s7, s1  }
0xc: {  	s7 =	smax.u32 s30, $0x1;
	s4 =	sadd.s32 $0x200, s3;
	s5 =	sadd.s32 $0x2800, s9  }
0xd: {  	v0 =	vimm.f32 $0.0e+00;
	v1 =	vimm.f32 $1.000000000e+00;
	s8 =	sadd.s32 $0x80, s3;
	s9 =	sadd.s32 $0x100, s3;
	s10 =	sadd.s32 $0x180, s3  }
.LBB2_1:
0xe: {  	[tilespmem:$0x2800] =	vst v0  }
0xf: {  	[tilespmem:$0x2810] =	vst v0  }
0x10: {  	[tilespmem:$0x2820] =	vst v0  }
0x11: {  	[tilespmem:$0x2830] =	vst v0  }
0x12: {  	[tilespmem:$0x2840] =	vst v0  }
0x13: {  	[tilespmem:$0x2850] =	vst v0  }
0x14: {  	[tilespmem:$0x2860] =	vst v0  }
0x15: {  	[tilespmem:$0x2870] =	vst v0  }
0x16: {  	[spmem:s3] =	stream.linear.scatter [tilespmem:s11], [sflag:$0x1], $0x80, $0x38;
	[tilespmem:$0x2AF8] =	vst v63  }
0x17: {  	_ =	swait.ge [sflag:s12], $0x80  }
0x18: {  	[sflag:s12] =	ssyncset.done $0x0  }
0x19: {  	[sflag:s12] =	ssyncadd.s32 $0xFFFFFF80  }
0x1a: {  	[spmem:s8] =	stream.linear.scatter [tilespmem:s11], [sflag:$0x1], $0x80, $0x38;
	[tilespmem:$0x2AF8] =	vst v63  }
0x1b: {  	_ =	swait.ge [sflag:s12], $0x80  }
0x1c: {  	[sflag:s12] =	ssyncset.done $0x0  }
0x1d: {  	[sflag:s12] =	ssyncadd.s32 $0xFFFFFF80  }
0x1e: {  	[spmem:s9] =	stream.linear.scatter [tilespmem:s11], [sflag:$0x1], $0x80, $0x38;
	[tilespmem:$0x2AF8] =	vst v63  }
0x1f: {  	_ =	swait.ge [sflag:s12], $0x80  }
0x20: {  	[sflag:s12] =	ssyncset.done $0x0  }
0x21: {  	[sflag:s12] =	ssyncadd.s32 $0xFFFFFF80  }
0x22: {  	[spmem:s10] =	stream.linear.scatter [tilespmem:s11], [sflag:$0x1], $0x80, $0x38;
	[tilespmem:$0x2AF8] =	vst v63  }
0x23: {  	_ =	swait.ge [sflag:s12], $0x80  }
0x24: {  	[sflag:s12] =	ssyncset.done $0x0  }
0x25: {  	[sflag:s12] =	ssyncadd.s32 $0xFFFFFF80  }
0x26: {  	[spmem:s4] =	stream.linear.scatter [tilespmem:s11], [sflag:$0x1], $0x78, $0x38;
	[tilespmem:$0x2AF8] =	vst v63  }
0x27: {  	_ =	swait.ge [sflag:s12], $0x78  }
0x28: {  	[sflag:s12] =	ssyncset.done $0x0  }
0x29: {  	[sflag:s12] =	ssyncadd.s32 $0xFFFFFF88  }
0x2a: {  	[tilespmem:$0x2800] =	vst v1  }
0x2b: {  	[tilespmem:$0x2810] =	vst v1  }
0x2c: {  	[tilespmem:$0x2820] =	vst v1  }
0x2d: {  	[tilespmem:$0x2830] =	vst v1  }
0x2e: {  	[tilespmem:$0x2840] =	vst v1  }
0x2f: {  	[tilespmem:$0x2850] =	vst v1  }
0x30: {  	[tilespmem:$0x2860] =	vst v1  }
0x31: {  	[tilespmem:$0x2870] =	vst v1  }
0x32: {  	[bflag:$0x0] =	sbarrier.arrive $0xFFFF  }
0x33: {  	[tilespmem:s2], [sflag:$0x1] =	stream.linear.gather [hbm4b:s5+s2], $0x2780, $0x38;
	[tilespmem:$0x2AF8] =	vst v63  }
0x34: {  	_ =	swait.ge [sflag:s12], $0x2780  }
0x35: {  	[sflag:s12] =	ssyncset.done $0x0  }
0x36: {  	s16 =	simm.s32 $0x0;
	[sflag:s12] =	ssyncadd.s32 $0xFFFFD880  }
0x37: {  	[spmem:s1] =	stream.indirect.scatter.add.f32 [tilespmem:s11], [sflag:$0x1], $0x1, s16, s13, $0xb8;
	[tilespmem:$0x2AF8] =	vst v63  }
0x38: {  	_ =	swait.ge [sflag:s12], $0x80  }
0x39: {  	s16 =	simm.s32 $0x200;
	[sflag:s12] =	ssyncset.done $0x0  }
.LBB2_2:
0x3a: {  	s17 =	sshra.s32 s16, $0x2;
	[sflag:s12] =	ssyncadd.s32 $0xFFFFFF80;
	p1 =	sne.s32 s16, $0x9C00  }
0x3b: {  	[spmem:s1] =	stream.indirect.scatter.add.f32 [tilespmem:s11], [sflag:$0x1], $0x1, s17, s13, $0xb8;
	[tilespmem:$0x2AF8] =	vst v63  }
.Ltmp0:
0x3c: {  	_ = 	snop;
	(pc) =	sbr.rel @p1 .LBB2_2-.Ltmp0, $4  }
0x3d: {  	_ = 	snop  }
0x3e: {  	s16 =	sadd.s32 $0x200, s16  }
0x3f: {  	_ =	swait.ge [sflag:s12], $0x80  }
0x40: {  	[sflag:s12] =	ssyncset.done $0x0  }
0x41: {  	[sflag:s12] =	ssyncadd.s32 $0xFFFFFF80;
	s16 =	simm.s32 @!p0 $0x1;
	s15 =	sadd.s32 $0x1, s15  }
0x42: {  	s17 =	simm.s32 @!p0 $0x20;
	s18 =	simm.s32 @!p0 $0x10;
	p1 =	sne.s32 s15, s7  }
.Ltmp1:
0x43: {  	s19 =	simm.s32 @!p0 $0x1C01;
	[bflag:$0x0] =	sbarrier.arrive $0xFFFF;
	(pc) =	sbr.rel @p1 .LBB2_1-.Ltmp1, $4  }
0x44: {  	[hbm:s6@s17], [sflag:s19] =	dma.strided @!p0 [spmem:s14@s18], $0x4F0, s16, $0x10   }
0x45: {  	_ =	swait.ge @!p0 [sflag:s16], $0x4F0  }
0x46: {  	[sflag:s16] =	ssyncset.done @!p0 $0x0  }
0x47: {  	[sflag:s16] =	ssyncadd.s32 @!p0 $0xFFFFFB10  }
0x48: {  	_ =	sfence.sel $0x180000  }
0x49: {  	[bflag:$0x0] =	sbarrier.arrive $0xFFFF  }
0x4a: {  	_ =	strace $0x90000047  }
0x4b: {  	s0 =	sadd.s32 @!p0 $0x100000, s0;
	[bflag:$0x2] =	sbarrier.arrive $0xFFFF  }
0x4c: {  	[sflag:s0] =	ssyncadd.tile.s32 @!p0 $0x1;
	_ =	shalt  }
.Lfunc_end2:
_tile_overlayer_lowered:
.L_overlay_start_2:
0x4d: {  	(tag) =	ssettag $0x2  }
0x4e: {  	s0 =	rddreg [dreg:$0x0];
	s2 =	stileid.u32  }
0x4f: {  	s1 =	rddreg [dreg:$0x1];
	p0 =	sne.s32 s2, $0x0  }
0x50: {  	s3 =	rddreg [dreg:$0x2];
	[bflag:$0x3] =	sbarrier.arrive $0xFFFF;
	s2 =	simm.s32 @!p0 $0x1C01  }
0x51: {  	[timem:s3], [sflag:s2] =	dma.local @!p0 [hbm:s0], s1  }
0x52: {  	s0 =	simm.s32 @!p0 $0x1  }
0x53: {  	_ =	swait.ge @!p0 [sflag:s0], s1  }
0x54: {  	s1 =	ssub.s32 @!p0 $0x0, s1;
	[sflag:s0] =	ssyncset.done @!p0 $0x0  }
0x55: {  	[sflag:s0] =	ssyncadd.s32 @!p0 s1  }
0x56: {  	[bflag:$0x3] =	sbarrier.arrive $0xFFFF  }
0x57: {  	_ =	shalt  }

</sc_bundles>
